<compile_context>
chip_gen: v7x
topology: tpu7x:2x2x1
jax: 0.10.2.dev20260603
libtpu: 0.0.44.dev20260713+nightly
codegen_flags: <defaults>
</compile_context>

<pallas_src>
import functools

import jax
import jax.numpy as jnp
from jax import lax
from jax.experimental import pallas as pl
from jax.experimental.pallas import tpu as pltpu
from jax.experimental.pallas import tpu_sc as plsc

NC = 2
NS = 16
NT = NC * NS
CH = 80
DP = 128


def _mesh():
    return plsc.VectorSubcoreMesh(
        core_axis_name="c", subcore_axis_name="s",
        num_cores=NC, num_subcores=NS)



def _make_edge_kernel(n, npad, e):
    ept = e // NT
    nch = ept // CH
    rpt = npad // NS
    SL = 4
    assert nch >= 8 and (nch - 2) % SL == 3

    @functools.partial(
        pl.kernel,
        out_type=jax.ShapeDtypeStruct((NC, npad, DP), jnp.float32),
        mesh=_mesh(),
        scratch_types=(
            [pltpu.VMEM((CH,), jnp.int32)] * SL
            + [pltpu.VMEM((CH,), jnp.int32)] * SL
            + [pltpu.VMEM((CH, DP), jnp.float32)] * SL
            + [pltpu.VMEM_SHARED((npad, DP), jnp.float32)]
            + [pltpu.SemaphoreType.DMA] * (3 * SL)
        ),
    )
    def edge_k(r_hbm, src_hbm, dst_hbm, zeros_hbm, out_hbm,
               sidx0, sidx1, sidx2, sidx3, didx0, didx1, didx2, didx3,
               rows0, rows1, rows2, rows3, table_s,
               gsem0, gsem1, gsem2, gsem3, isem0, isem1, isem2, isem3,
               ssem0, ssem1, ssem2, ssem3):
        cid = lax.axis_index("c")
        sid = lax.axis_index("s")
        wid = cid * NS + sid
        row0 = sid * rpt
        tbase = wid * ept
        sidx = (sidx0, sidx1, sidx2, sidx3)
        didx = (didx0, didx1, didx2, didx3)
        rows = (rows0, rows1, rows2, rows3)
        gsem = (gsem0, gsem1, gsem2, gsem3)
        isem = (isem0, isem1, isem2, isem3)
        ssem = (ssem0, ssem1, ssem2, ssem3)

        pltpu.sync_copy(zeros_hbm.at[pl.ds(row0, rpt)],
                        table_s.at[pl.ds(row0, rpt)])
        plsc.subcore_barrier()

        def issue_idx(i, b):
            base = tbase + i * CH
            pltpu.async_copy(src_hbm.at[pl.ds(base, CH)], sidx[b], isem[b])
            pltpu.async_copy(dst_hbm.at[pl.ds(base, CH)], didx[b], isem[b])

        def wait_idx(b):
            pltpu.make_async_copy(src_hbm.at[pl.ds(0, CH)], sidx[b], isem[b]).wait()
            pltpu.make_async_copy(dst_hbm.at[pl.ds(0, CH)], didx[b], isem[b]).wait()

        def issue_gather(b):
            pltpu.async_copy(r_hbm.at[sidx[b]], rows[b], gsem[b])

        def wait_gather(b):
            pltpu.make_async_copy(r_hbm.at[sidx[b]], rows[b], gsem[b]).wait()

        def issue_scatter(b):
            pltpu.async_copy(rows[b], table_s.at[didx[b]], ssem[b], add=True)

        def wait_scatter(b):
            pltpu.make_async_copy(rows[b], table_s.at[didx[b]], ssem[b]).wait()

        def step(i, b, do_idx, do_gather, do_wait_s):
            if do_idx:
                sb = (b + 2) % SL
                if do_wait_s:
                    wait_scatter(sb)
                issue_idx(i + 2, sb)
            if do_gather:
                gb = (b + 1) % SL
                wait_idx(gb)
                issue_gather(gb)
            wait_gather(b)
            issue_scatter(b)

        pltpu.sync_copy(src_hbm.at[pl.ds(tbase, CH)], sidx0)
        pltpu.sync_copy(dst_hbm.at[pl.ds(tbase, CH)], didx0)
        pltpu.sync_copy(src_hbm.at[pl.ds(tbase + CH, CH)], sidx1)
        pltpu.sync_copy(dst_hbm.at[pl.ds(tbase + CH, CH)], didx1)
        issue_gather(0)
        issue_idx(2, 2)

        issue_gather(1)
        wait_gather(0)
        issue_scatter(0)
        issue_idx(3, 3)
        wait_idx(2)
        issue_gather(2)
        wait_gather(1)
        issue_scatter(1)

        def quad(g, carry):
            i = 2 + SL * g
            step(i, 2, True, True, True)
            step(i + 1, 3, True, True, True)
            step(i + 2, 0, True, True, True)
            step(i + 3, 1, True, True, True)
            return carry

        lax.fori_loop(0, (nch - 5) // SL, quad, 0)
        step(nch - 3, (nch - 3) % SL, True, True, True)
        step(nch - 2, (nch - 2) % SL, False, True, False)
        step(nch - 1, (nch - 1) % SL, False, False, False)
        wait_scatter((nch - 4) % SL)
        wait_scatter((nch - 3) % SL)
        wait_scatter((nch - 2) % SL)
        wait_scatter((nch - 1) % SL)

        plsc.subcore_barrier()
        pltpu.sync_copy(table_s.at[pl.ds(row0, rpt)],
                        out_hbm.at[cid, pl.ds(row0, rpt)])

    return edge_k



def _pad_r(r, block, d):
    return jnp.concatenate(
        [r, jnp.ones((block, 1), r.dtype),
         jnp.zeros((block, DP - d - 1), r.dtype)], axis=-1)


def _norm_msg(p_ref, d):
    agg = p_ref[0, :, :d] + p_ref[1, :, :d]
    deg = p_ref[0, :, d:d + 1] + p_ref[1, :, d:d + 1]
    return agg / jnp.maximum(deg, 1.0)


def _mv(obs, W, p, step, block):
    n, d, _ = W.shape

    def body(step_ref, obs_ref, w_ref, p_ref, r_ref):
        m = _norm_msg(p_ref, d)
        m = jnp.where(step_ref[0] == 0, obs_ref[...][None, :], m)
        r = jnp.sum(w_ref[...] * m[:, None, :], axis=-1)
        r = jnp.where(step_ref[0] < 2, jnp.maximum(r, 0.0), r)
        r_ref[...] = _pad_r(r, block, d)

    return pl.pallas_call(
        body,
        grid=(n // block,),
        in_specs=[
            pl.BlockSpec(memory_space=pltpu.SMEM),
            pl.BlockSpec((d,), lambda i: (0,)),
            pl.BlockSpec((block, d, d), lambda i: (i, 0, 0)),
            pl.BlockSpec((NC, block, DP), lambda i: (0, i, 0)),
        ],
        out_specs=pl.BlockSpec((block, DP), lambda i: (i, 0)),
        out_shape=jax.ShapeDtypeStruct((n, DP), jnp.float32),
    )(step, obs, W, p)


def _final(p, fc_w, fc_b, block, n, d):
    out_dim = fc_w.shape[0]
    nb = n // block

    def body(p_ref, fcw_ref, fcb_ref, out_ref, acc_ref):
        i = pl.program_id(0)

        @pl.when(i == 0)
        def _():
            acc_ref[...] = jnp.zeros_like(acc_ref)

        m = _norm_msg(p_ref, d)
        acc_ref[...] += jnp.sum(m, axis=0)

        @pl.when(i == nb - 1)
        def _():
            out = acc_ref[...] / n
            out_ref[...] = jnp.tanh(fcw_ref[...] @ out + fcb_ref[...])

    return pl.pallas_call(
        body,
        grid=(nb,),
        in_specs=[
            pl.BlockSpec((NC, block, DP), lambda i: (0, i, 0)),
            pl.BlockSpec((out_dim, d), lambda i: (0, 0)),
            pl.BlockSpec((out_dim,), lambda i: (0,)),
        ],
        out_specs=pl.BlockSpec((out_dim,), lambda i: (0,)),
        out_shape=jax.ShapeDtypeStruct((out_dim,), jnp.float32),
        scratch_shapes=[pltpu.VMEM((d,), jnp.float32)],
    )(p, fc_w, fc_b)



def kernel(obs, W, edge_index, fc_w, fc_b):
    n, d, _ = W.shape
    e = edge_index.shape[1]
    src = edge_index[0]
    dst = edge_index[1]
    block = 400
    npad = ((n + NS * 8 - 1) // (NS * 8)) * NS * 8

    zeros_nd = jnp.zeros((npad, DP), jnp.float32)
    edge_k = _make_edge_kernel(n, npad, e)

    def step_fn(p, step):
        r = _mv(obs, W, p, jnp.reshape(step, (1,)), block)
        return edge_k(r, src, dst, zeros_nd), None

    p_last, _ = lax.scan(step_fn, jnp.zeros((NC, npad, DP), jnp.float32),
                         jnp.arange(3, dtype=jnp.int32))
    return _final(p_last, fc_w, fc_b, block, n, d)

# --- scband reference (transcript-rebuilt; emitter-appended) ---
"""Pipeline reference for scband-hologram-14757507629456 (READ-ONLY COPY).

The authoritative reference and input builder live on the scoring server;
editing this copy changes nothing except your own understanding.
"""

import jax, jax.numpy as jnp
import numpy as np

N = 10000   # number of phenotype cells (graph nodes)
D = 64      # in_dim == w_dim (per-cell Linear is D x D)
E = 320000  # number of directed edges (avg_degree = 32)
OUT = 64    # out_dim of final fc


def setup_inputs(seed: int = 0) -> dict:
    key = jax.random.key(seed)
    k1, k2, k3, k4, k5 = jax.random.split(key, 5)
    obs = jax.random.normal(k1, (D,), dtype=jnp.float32)
    # Per-node cell weight matrices (nn.Linear(w_dim, w_dim, bias=False).weight for each cell),
    # generated in Hologram.gen() from the decoded genome rows reshaped to (w_dim, w_dim).
    W = jax.random.normal(k2, (N, D, D), dtype=jnp.float32) * 0.05
    src = jax.random.randint(k3, (E,), 0, N, dtype=jnp.int32)
    # ensure every node appears at least once as a destination so the frontier covers all nodes
    dst = jnp.concatenate([jnp.arange(N, dtype=jnp.int32),
                           jax.random.randint(k4, (E - N,), 0, N, dtype=jnp.int32)])
    edge_index = jnp.stack([src, dst], axis=0)
    fc_w = jax.random.normal(k5, (OUT, D), dtype=jnp.float32) * 0.1
    fc_b = jnp.zeros((OUT,), dtype=jnp.float32)
    return {"obs": obs, "W": W, "edge_index": edge_index, "fc_w": fc_w, "fc_b": fc_b}


def reference(obs, W, edge_index, fc_w, fc_b):
    # Faithful vectorized translation of Phenotype.act + Hologram.act:
    #   traversal_depth = 3; activations = [relu, relu, None]
    #   per step: r_u = act(cell_u(m_u)); each neighbor v of u receives r_u;
    #             messages are grouped by destination and mean-reduced (sort+group == segment mean).
    # With the frontier covering all nodes this is exactly:
    #   m_{t+1}[v] = mean_{(u->v) in E} act(W_u @ m_t[u])
    src = edge_index[0]
    dst = edge_index[1]
    n = W.shape[0]
    messages = jnp.broadcast_to(obs, (n, obs.shape[0]))  # torch.cat([x.unsqueeze(0)] * len(next_index))
    deg = jnp.zeros((n,), dtype=jnp.float32).at[dst].add(1.0)
    deg = jnp.maximum(deg, 1.0)
    for step in range(3):
        r = jnp.einsum('nij,nj->ni', W, messages)  # self.cells[node].forward(messages[i])
        if step < 2:
            r = jax.nn.relu(r)                      # activation on all but the last traversal step
        sent = jnp.take(r, src, axis=0)             # duplicate r per outgoing neighbor (gather)
        agg = jnp.zeros((n, r.shape[1]), dtype=r.dtype).at[dst].add(sent)  # scatter-add by dst
        messages = agg / deg[:, None]               # grouped mean reduce
    out = messages.mean(axis=0)                     # phenom.act(obs).mean(0)
    return jnp.tanh(fc_w @ out + fc_b)              # self.activation(self.fc(out))

if __name__ == "__main__":
    import jax
    _d = setup_inputs()
    print(jax.jit(kernel)(*tuple(_d.values())))

</pallas_src>

<mosaic_0001>
#map = affine_map<(d0, d1) -> (0, 0)>
#map1 = affine_map<(d0, d1) -> (0)>
#map2 = affine_map<(d0, d1) -> (0, 0, 0)>
module attributes {stable_mosaic.version = 14 : i64} {
  func.func @edge_k(%arg0: i32, %arg1: i32, %arg2: memref<10000x128xf32, #tpu.memory_space<hbm>>, %arg3: memref<320000xi32, #tpu.memory_space<hbm>>, %arg4: memref<320000xi32, #tpu.memory_space<hbm>>, %arg5: memref<10112x128xf32, #tpu.memory_space<hbm>>, %arg6: memref<2x10112x128xf32, #tpu.memory_space<hbm>>, %arg7: memref<80xi32, #tpu.memory_space<vmem>>, %arg8: memref<80xi32, #tpu.memory_space<vmem>>, %arg9: memref<80xi32, #tpu.memory_space<vmem>>, %arg10: memref<80xi32, #tpu.memory_space<vmem>>, %arg11: memref<80xi32, #tpu.memory_space<vmem>>, %arg12: memref<80xi32, #tpu.memory_space<vmem>>, %arg13: memref<80xi32, #tpu.memory_space<vmem>>, %arg14: memref<80xi32, #tpu.memory_space<vmem>>, %arg15: memref<80x128xf32, #tpu.memory_space<vmem>>, %arg16: memref<80x128xf32, #tpu.memory_space<vmem>>, %arg17: memref<80x128xf32, #tpu.memory_space<vmem>>, %arg18: memref<80x128xf32, #tpu.memory_space<vmem>>, %arg19: memref<10112x128xf32, #tpu.memory_space<vmem_shared>>, %arg20: memref<!tpu.dma_semaphore, #tpu.memory_space<semaphore_mem>>, %arg21: memref<!tpu.dma_semaphore, #tpu.memory_space<semaphore_mem>>, %arg22: memref<!tpu.dma_semaphore, #tpu.memory_space<semaphore_mem>>, %arg23: memref<!tpu.dma_semaphore, #tpu.memory_space<semaphore_mem>>, %arg24: memref<!tpu.dma_semaphore, #tpu.memory_space<semaphore_mem>>, %arg25: memref<!tpu.dma_semaphore, #tpu.memory_space<semaphore_mem>>, %arg26: memref<!tpu.dma_semaphore, #tpu.memory_space<semaphore_mem>>, %arg27: memref<!tpu.dma_semaphore, #tpu.memory_space<semaphore_mem>>, %arg28: memref<!tpu.dma_semaphore, #tpu.memory_space<semaphore_mem>>, %arg29: memref<!tpu.dma_semaphore, #tpu.memory_space<semaphore_mem>>, %arg30: memref<!tpu.dma_semaphore, #tpu.memory_space<semaphore_mem>>, %arg31: memref<!tpu.dma_semaphore, #tpu.memory_space<semaphore_mem>>) attributes {dimension_semantics = [#tpu.dimension_semantics<core_parallel>, #tpu.dimension_semantics<subcore_parallel>], iteration_bounds = array<i64: 2, 16>, scalar_prefetch = 0 : i64, scratch_operands = 25 : i64, tpu.core_type = #tpu.core_type<sc_vector_subcore>, window_params = [{transform_indices = #map}, {transform_indices = #map1}, {transform_indices = #map1}, {transform_indices = #map}, {transform_indices = #map2}]} {
    %mul3A = arith.constant 16 : i32
    %mul3A_0 = arith.muli %arg0, %mul3A : i32
    %add3A = arith.addi %mul3A_0, %arg1 : i32
    %mul3A_1 = arith.constant 632 : i32
    %mul3A_2 = arith.muli %arg1, %mul3A_1 : i32
    %mul3A_3 = arith.constant 10000 : i32
    %mul3A_4 = arith.muli %add3A, %mul3A_3 : i32
    "tpu.region"() ({
      %run_scoped3A = tpu.sem_alloc : memref<!tpu.dma_semaphore, #tpu.memory_space<semaphore_mem>>
      %dma_start3A_115 = arith.constant 0 : i32
      %dma_start3A_116 = tpu.memref_slice %arg19[%mul3A_2, %dma_start3A_115] : memref<10112x128xf32, #tpu.memory_space<vmem_shared>> -> memref<632x128xf32, #tpu.memory_space<vmem_shared>>
      %dma_start3A_117 = arith.constant 0 : i32
      %dma_start3A_118 = tpu.memref_slice %arg5[%mul3A_2, %dma_start3A_117] : memref<10112x128xf32, #tpu.memory_space<hbm>> -> memref<632x128xf32, #tpu.memory_space<hbm>>
      tpu.enqueue_dma source(%dma_start3A_118 : memref<632x128xf32, #tpu.memory_space<hbm>>) target(%dma_start3A_116 : memref<632x128xf32, #tpu.memory_space<vmem_shared>>) target_semaphore(%run_scoped3A : memref<!tpu.dma_semaphore, #tpu.memory_space<semaphore_mem>>)
      %dma_wait3A_119 = arith.constant 0 : i32
      %dma_wait3A_120 = tpu.memref_slice %arg19[%mul3A_2, %dma_wait3A_119] : memref<10112x128xf32, #tpu.memory_space<vmem_shared>> -> memref<632x128xf32, #tpu.memory_space<vmem_shared>>
      %dma_wait3A_121 = arith.constant 0 : i32
      %dma_wait3A_122 = tpu.memref_slice %arg5[%mul3A_2, %dma_wait3A_121] : memref<10112x128xf32, #tpu.memory_space<hbm>> -> memref<632x128xf32, #tpu.memory_space<hbm>>
      tpu.wait_dma2 semaphore(%run_scoped3A : memref<!tpu.dma_semaphore, #tpu.memory_space<semaphore_mem>>) src(%dma_wait3A_122 : memref<632x128xf32, #tpu.memory_space<hbm>>) dst(%dma_wait3A_120 : memref<632x128xf32, #tpu.memory_space<vmem_shared>>)
      tpu.yield
    }) : () -> ()
    %barrier3A = arith.constant 0 : index
    tpu.barrier barrier_id(%barrier3A)
    "tpu.region"() ({
      %run_scoped3A = tpu.sem_alloc : memref<!tpu.dma_semaphore, #tpu.memory_space<semaphore_mem>>
      %dma_start3A_115 = tpu.memref_slice %arg3[%mul3A_4] : memref<320000xi32, #tpu.memory_space<hbm>> -> memref<80xi32, #tpu.memory_space<hbm>>
      %dma_start3A_116 = tpu.memref_slice %arg3[%mul3A_4] : memref<320000xi32, #tpu.memory_space<hbm>> -> memref<80xi32, #tpu.memory_space<hbm>>
      tpu.enqueue_dma source(%dma_start3A_116 : memref<80xi32, #tpu.memory_space<hbm>>) target(%arg7 : memref<80xi32, #tpu.memory_space<vmem>>) target_semaphore(%run_scoped3A : memref<!tpu.dma_semaphore, #tpu.memory_space<semaphore_mem>>)
      %dma_wait3A_117 = tpu.memref_slice %arg3[%mul3A_4] : memref<320000xi32, #tpu.memory_space<hbm>> -> memref<80xi32, #tpu.memory_space<hbm>>
      %dma_wait3A_118 = tpu.memref_slice %arg3[%mul3A_4] : memref<320000xi32, #tpu.memory_space<hbm>> -> memref<80xi32, #tpu.memory_space<hbm>>
      tpu.wait_dma2 semaphore(%run_scoped3A : memref<!tpu.dma_semaphore, #tpu.memory_space<semaphore_mem>>) src(%dma_wait3A_118 : memref<80xi32, #tpu.memory_space<hbm>>) dst(%arg7 : memref<80xi32, #tpu.memory_space<vmem>>)
      tpu.yield
    }) : () -> ()
    "tpu.region"() ({
      %run_scoped3A = tpu.sem_alloc : memref<!tpu.dma_semaphore, #tpu.memory_space<semaphore_mem>>
      %dma_start3A_115 = tpu.memref_slice %arg4[%mul3A_4] : memref<320000xi32, #tpu.memory_space<hbm>> -> memref<80xi32, #tpu.memory_space<hbm>>
      %dma_start3A_116 = tpu.memref_slice %arg4[%mul3A_4] : memref<320000xi32, #tpu.memory_space<hbm>> -> memref<80xi32, #tpu.memory_space<hbm>>
      tpu.enqueue_dma source(%dma_start3A_116 : memref<80xi32, #tpu.memory_space<hbm>>) target(%arg11 : memref<80xi32, #tpu.memory_space<vmem>>) target_semaphore(%run_scoped3A : memref<!tpu.dma_semaphore, #tpu.memory_space<semaphore_mem>>)
      %dma_wait3A_117 = tpu.memref_slice %arg4[%mul3A_4] : memref<320000xi32, #tpu.memory_space<hbm>> -> memref<80xi32, #tpu.memory_space<hbm>>
      %dma_wait3A_118 = tpu.memref_slice %arg4[%mul3A_4] : memref<320000xi32, #tpu.memory_space<hbm>> -> memref<80xi32, #tpu.memory_space<hbm>>
      tpu.wait_dma2 semaphore(%run_scoped3A : memref<!tpu.dma_semaphore, #tpu.memory_space<semaphore_mem>>) src(%dma_wait3A_118 : memref<80xi32, #tpu.memory_space<hbm>>) dst(%arg11 : memref<80xi32, #tpu.memory_space<vmem>>)
      tpu.yield
    }) : () -> ()
    %add3A_5 = arith.constant 80 : i32
    %add3A_6 = arith.addi %mul3A_4, %add3A_5 : i32
    "tpu.region"() ({
      %run_scoped3A = tpu.sem_alloc : memref<!tpu.dma_semaphore, #tpu.memory_space<semaphore_mem>>
      %dma_start3A_115 = tpu.memref_slice %arg3[%add3A_6] : memref<320000xi32, #tpu.memory_space<hbm>> -> memref<80xi32, #tpu.memory_space<hbm>>
      %dma_start3A_116 = tpu.memref_slice %arg3[%add3A_6] : memref<320000xi32, #tpu.memory_space<hbm>> -> memref<80xi32, #tpu.memory_space<hbm>>
      tpu.enqueue_dma source(%dma_start3A_116 : memref<80xi32, #tpu.memory_space<hbm>>) target(%arg8 : memref<80xi32, #tpu.memory_space<vmem>>) target_semaphore(%run_scoped3A : memref<!tpu.dma_semaphore, #tpu.memory_space<semaphore_mem>>)
      %dma_wait3A_117 = tpu.memref_slice %arg3[%add3A_6] : memref<320000xi32, #tpu.memory_space<hbm>> -> memref<80xi32, #tpu.memory_space<hbm>>
      %dma_wait3A_118 = tpu.memref_slice %arg3[%add3A_6] : memref<320000xi32, #tpu.memory_space<hbm>> -> memref<80xi32, #tpu.memory_space<hbm>>
      tpu.wait_dma2 semaphore(%run_scoped3A : memref<!tpu.dma_semaphore, #tpu.memory_space<semaphore_mem>>) src(%dma_wait3A_118 : memref<80xi32, #tpu.memory_space<hbm>>) dst(%arg8 : memref<80xi32, #tpu.memory_space<vmem>>)
      tpu.yield
    }) : () -> ()
    %add3A_7 = arith.constant 80 : i32
    %add3A_8 = arith.addi %mul3A_4, %add3A_7 : i32
    "tpu.region"() ({
      %run_scoped3A = tpu.sem_alloc : memref<!tpu.dma_semaphore, #tpu.memory_space<semaphore_mem>>
      %dma_start3A_115 = tpu.memref_slice %arg4[%add3A_8] : memref<320000xi32, #tpu.memory_space<hbm>> -> memref<80xi32, #tpu.memory_space<hbm>>
      %dma_start3A_116 = tpu.memref_slice %arg4[%add3A_8] : memref<320000xi32, #tpu.memory_space<hbm>> -> memref<80xi32, #tpu.memory_space<hbm>>
      tpu.enqueue_dma source(%dma_start3A_116 : memref<80xi32, #tpu.memory_space<hbm>>) target(%arg12 : memref<80xi32, #tpu.memory_space<vmem>>) target_semaphore(%run_scoped3A : memref<!tpu.dma_semaphore, #tpu.memory_space<semaphore_mem>>)
      %dma_wait3A_117 = tpu.memref_slice %arg4[%add3A_8] : memref<320000xi32, #tpu.memory_space<hbm>> -> memref<80xi32, #tpu.memory_space<hbm>>
      %dma_wait3A_118 = tpu.memref_slice %arg4[%add3A_8] : memref<320000xi32, #tpu.memory_space<hbm>> -> memref<80xi32, #tpu.memory_space<hbm>>
      tpu.wait_dma2 semaphore(%run_scoped3A : memref<!tpu.dma_semaphore, #tpu.memory_space<semaphore_mem>>) src(%dma_wait3A_118 : memref<80xi32, #tpu.memory_space<hbm>>) dst(%arg12 : memref<80xi32, #tpu.memory_space<vmem>>)
      tpu.yield
    }) : () -> ()
    %dma_start3A = arith.constant 0 : i32
    %dma_start3A_9 = arith.constant 0 : i32
    %dma_start3A_10 = tpu.memref_slice %arg2[%dma_start3A, %dma_start3A_9] : memref<10000x128xf32, #tpu.memory_space<hbm>> -> memref<10000x128xf32, #tpu.memory_space<hbm>>
    tpu.enqueue_indirect_dma source(%dma_start3A_10 : memref<10000x128xf32, #tpu.memory_space<hbm>>) target(%arg15 : memref<80x128xf32, #tpu.memory_space<vmem>>) offsets(%arg7 : memref<80xi32, #tpu.memory_space<vmem>>) semaphore(%arg20 : memref<!tpu.dma_semaphore, #tpu.memory_space<semaphore_mem>>)
    %add3A_11 = arith.constant 160 : i32
    %add3A_12 = arith.addi %mul3A_4, %add3A_11 : i32
    %dma_start3A_13 = tpu.memref_slice %arg3[%add3A_12] : memref<320000xi32, #tpu.memory_space<hbm>> -> memref<80xi32, #tpu.memory_space<hbm>>
    %dma_start3A_14 = tpu.memref_slice %arg3[%add3A_12] : memref<320000xi32, #tpu.memory_space<hbm>> -> memref<80xi32, #tpu.memory_space<hbm>>
    tpu.enqueue_dma source(%dma_start3A_14 : memref<80xi32, #tpu.memory_space<hbm>>) target(%arg9 : memref<80xi32, #tpu.memory_space<vmem>>) target_semaphore(%arg26 : memref<!tpu.dma_semaphore, #tpu.memory_space<semaphore_mem>>)
    %dma_start3A_15 = tpu.memref_slice %arg4[%add3A_12] : memref<320000xi32, #tpu.memory_space<hbm>> -> memref<80xi32, #tpu.memory_space<hbm>>
    %dma_start3A_16 = tpu.memref_slice %arg4[%add3A_12] : memref<320000xi32, #tpu.memory_space<hbm>> -> memref<80xi32, #tpu.memory_space<hbm>>
    tpu.enqueue_dma source(%dma_start3A_16 : memref<80xi32, #tpu.memory_space<hbm>>) target(%arg13 : memref<80xi32, #tpu.memory_space<vmem>>) target_semaphore(%arg26 : memref<!tpu.dma_semaphore, #tpu.memory_space<semaphore_mem>>)
    %dma_start3A_17 = arith.constant 0 : i32
    %dma_start3A_18 = arith.constant 0 : i32
    %dma_start3A_19 = tpu.memref_slice %arg2[%dma_start3A_17, %dma_start3A_18] : memref<10000x128xf32, #tpu.memory_space<hbm>> -> memref<10000x128xf32, #tpu.memory_space<hbm>>
    tpu.enqueue_indirect_dma source(%dma_start3A_19 : memref<10000x128xf32, #tpu.memory_space<hbm>>) target(%arg16 : memref<80x128xf32, #tpu.memory_space<vmem>>) offsets(%arg8 : memref<80xi32, #tpu.memory_space<vmem>>) semaphore(%arg21 : memref<!tpu.dma_semaphore, #tpu.memory_space<semaphore_mem>>)
    %dma_wait3A = arith.constant 0 : i32
    %dma_wait3A_20 = arith.constant 0 : i32
    %dma_wait3A_21 = tpu.memref_slice %arg2[%dma_wait3A, %dma_wait3A_20] : memref<10000x128xf32, #tpu.memory_space<hbm>> -> memref<10000x128xf32, #tpu.memory_space<hbm>>
    tpu.wait_indirect_dma semaphore(%arg20 : memref<!tpu.dma_semaphore, #tpu.memory_space<semaphore_mem>>) src(%dma_wait3A_21 : memref<10000x128xf32, #tpu.memory_space<hbm>>) dst(%arg15 : memref<80x128xf32, #tpu.memory_space<vmem>>)
    %dma_start3A_22 = arith.constant 0 : i32
    %dma_start3A_23 = arith.constant 0 : i32
    %dma_start3A_24 = tpu.memref_slice %arg19[%dma_start3A_22, %dma_start3A_23] : memref<10112x128xf32, #tpu.memory_space<vmem_shared>> -> memref<10112x128xf32, #tpu.memory_space<vmem_shared>>
    tpu.enqueue_indirect_dma source(%arg15 : memref<80x128xf32, #tpu.memory_space<vmem>>) target(%dma_start3A_24 : memref<10112x128xf32, #tpu.memory_space<vmem_shared>>) offsets(%arg11 : memref<80xi32, #tpu.memory_space<vmem>>) semaphore(%arg28 : memref<!tpu.dma_semaphore, #tpu.memory_space<semaphore_mem>>) {add = true}
    %add3A_25 = arith.constant 240 : i32
    %add3A_26 = arith.addi %mul3A_4, %add3A_25 : i32
    %dma_start3A_27 = tpu.memref_slice %arg3[%add3A_26] : memref<320000xi32, #tpu.memory_space<hbm>> -> memref<80xi32, #tpu.memory_space<hbm>>
    %dma_start3A_28 = tpu.memref_slice %arg3[%add3A_26] : memref<320000xi32, #tpu.memory_space<hbm>> -> memref<80xi32, #tpu.memory_space<hbm>>
    tpu.enqueue_dma source(%dma_start3A_28 : memref<80xi32, #tpu.memory_space<hbm>>) target(%arg10 : memref<80xi32, #tpu.memory_space<vmem>>) target_semaphore(%arg27 : memref<!tpu.dma_semaphore, #tpu.memory_space<semaphore_mem>>)
    %dma_start3A_29 = tpu.memref_slice %arg4[%add3A_26] : memref<320000xi32, #tpu.memory_space<hbm>> -> memref<80xi32, #tpu.memory_space<hbm>>
    %dma_start3A_30 = tpu.memref_slice %arg4[%add3A_26] : memref<320000xi32, #tpu.memory_space<hbm>> -> memref<80xi32, #tpu.memory_space<hbm>>
    tpu.enqueue_dma source(%dma_start3A_30 : memref<80xi32, #tpu.memory_space<hbm>>) target(%arg14 : memref<80xi32, #tpu.memory_space<vmem>>) target_semaphore(%arg27 : memref<!tpu.dma_semaphore, #tpu.memory_space<semaphore_mem>>)
    %dma_wait3A_31 = arith.constant 0 : i32
    %dma_wait3A_32 = tpu.memref_slice %arg3[%dma_wait3A_31] : memref<320000xi32, #tpu.memory_space<hbm>> -> memref<80xi32, #tpu.memory_space<hbm>>
    %dma_wait3A_33 = arith.constant 0 : i32
    %dma_wait3A_34 = tpu.memref_slice %arg3[%dma_wait3A_33] : memref<320000xi32, #tpu.memory_space<hbm>> -> memref<80xi32, #tpu.memory_space<hbm>>
    tpu.wait_dma2 semaphore(%arg26 : memref<!tpu.dma_semaphore, #tpu.memory_space<semaphore_mem>>) src(%dma_wait3A_34 : memref<80xi32, #tpu.memory_space<hbm>>) dst(%arg9 : memref<80xi32, #tpu.memory_space<vmem>>)
    %dma_wait3A_35 = arith.constant 0 : i32
    %dma_wait3A_36 = tpu.memref_slice %arg4[%dma_wait3A_35] : memref<320000xi32, #tpu.memory_space<hbm>> -> memref<80xi32, #tpu.memory_space<hbm>>
    %dma_wait3A_37 = arith.constant 0 : i32
    %dma_wait3A_38 = tpu.memref_slice %arg4[%dma_wait3A_37] : memref<320000xi32, #tpu.memory_space<hbm>> -> memref<80xi32, #tpu.memory_space<hbm>>
    tpu.wait_dma2 semaphore(%arg26 : memref<!tpu.dma_semaphore, #tpu.memory_space<semaphore_mem>>) src(%dma_wait3A_38 : memref<80xi32, #tpu.memory_space<hbm>>) dst(%arg13 : memref<80xi32, #tpu.memory_space<vmem>>)
    %dma_start3A_39 = arith.constant 0 : i32
    %dma_start3A_40 = arith.constant 0 : i32
    %dma_start3A_41 = tpu.memref_slice %arg2[%dma_start3A_39, %dma_start3A_40] : memref<10000x128xf32, #tpu.memory_space<hbm>> -> memref<10000x128xf32, #tpu.memory_space<hbm>>
    tpu.enqueue_indirect_dma source(%dma_start3A_41 : memref<10000x128xf32, #tpu.memory_space<hbm>>) target(%arg17 : memref<80x128xf32, #tpu.memory_space<vmem>>) offsets(%arg9 : memref<80xi32, #tpu.memory_space<vmem>>) semaphore(%arg22 : memref<!tpu.dma_semaphore, #tpu.memory_space<semaphore_mem>>)
    %dma_wait3A_42 = arith.constant 0 : i32
    %dma_wait3A_43 = arith.constant 0 : i32
    %dma_wait3A_44 = tpu.memref_slice %arg2[%dma_wait3A_42, %dma_wait3A_43] : memref<10000x128xf32, #tpu.memory_space<hbm>> -> memref<10000x128xf32, #tpu.memory_space<hbm>>
    tpu.wait_indirect_dma semaphore(%arg21 : memref<!tpu.dma_semaphore, #tpu.memory_space<semaphore_mem>>) src(%dma_wait3A_44 : memref<10000x128xf32, #tpu.memory_space<hbm>>) dst(%arg16 : memref<80x128xf32, #tpu.memory_space<vmem>>)
    %dma_start3A_45 = arith.constant 0 : i32
    %dma_start3A_46 = arith.constant 0 : i32
    %dma_start3A_47 = tpu.memref_slice %arg19[%dma_start3A_45, %dma_start3A_46] : memref<10112x128xf32, #tpu.memory_space<vmem_shared>> -> memref<10112x128xf32, #tpu.memory_space<vmem_shared>>
    tpu.enqueue_indirect_dma source(%arg16 : memref<80x128xf32, #tpu.memory_space<vmem>>) target(%dma_start3A_47 : memref<10112x128xf32, #tpu.memory_space<vmem_shared>>) offsets(%arg12 : memref<80xi32, #tpu.memory_space<vmem>>) semaphore(%arg29 : memref<!tpu.dma_semaphore, #tpu.memory_space<semaphore_mem>>) {add = true}
    %scan3A = arith.constant 0 : i32
    %scan3A_48 = arith.constant 0 : i32
    %scan3A_49 = arith.constant 30 : i32
    %scan3A_50 = arith.addi %scan3A_48, %scan3A_49 : i32
    %scan3A_51 = arith.constant 1 : i32
    scf.for %scan3A_115 = %scan3A_48 to %scan3A_50 step %scan3A_51  : i32 {
      %mul3A_116 = arith.constant 4 : i32
      %mul3A_117 = arith.muli %mul3A_116, %scan3A_115 : i32
      %add3A_118 = arith.constant 2 : i32
      %add3A_119 = arith.addi %add3A_118, %mul3A_117 : i32
      %dma_wait3A_120 = arith.constant 0 : i32
      %dma_wait3A_121 = arith.constant 0 : i32
      %dma_wait3A_122 = tpu.memref_slice %arg19[%dma_wait3A_120, %dma_wait3A_121] : memref<10112x128xf32, #tpu.memory_space<vmem_shared>> -> memref<10112x128xf32, #tpu.memory_space<vmem_shared>>
      tpu.wait_indirect_dma semaphore(%arg28 : memref<!tpu.dma_semaphore, #tpu.memory_space<semaphore_mem>>) src(%arg15 : memref<80x128xf32, #tpu.memory_space<vmem>>) dst(%dma_wait3A_122 : memref<10112x128xf32, #tpu.memory_space<vmem_shared>>)
      %add3A_123 = arith.constant 2 : i32
      %add3A_124 = arith.addi %add3A_119, %add3A_123 : i32
      %mul3A_125 = arith.constant 80 : i32
      %mul3A_126 = arith.muli %add3A_124, %mul3A_125 : i32
      %add3A_127 = arith.addi %mul3A_4, %mul3A_126 : i32
      %dma_start3A_128 = tpu.memref_slice %arg3[%add3A_127] : memref<320000xi32, #tpu.memory_space<hbm>> -> memref<80xi32, #tpu.memory_space<hbm>>
      %dma_start3A_129 = tpu.memref_slice %arg3[%add3A_127] : memref<320000xi32, #tpu.memory_space<hbm>> -> memref<80xi32, #tpu.memory_space<hbm>>
      tpu.enqueue_dma source(%dma_start3A_129 : memref<80xi32, #tpu.memory_space<hbm>>) target(%arg7 : memref<80xi32, #tpu.memory_space<vmem>>) target_semaphore(%arg24 : memref<!tpu.dma_semaphore, #tpu.memory_space<semaphore_mem>>)
      %dma_start3A_130 = tpu.memref_slice %arg4[%add3A_127] : memref<320000xi32, #tpu.memory_space<hbm>> -> memref<80xi32, #tpu.memory_space<hbm>>
      %dma_start3A_131 = tpu.memref_slice %arg4[%add3A_127] : memref<320000xi32, #tpu.memory_space<hbm>> -> memref<80xi32, #tpu.memory_space<hbm>>
      tpu.enqueue_dma source(%dma_start3A_131 : memref<80xi32, #tpu.memory_space<hbm>>) target(%arg11 : memref<80xi32, #tpu.memory_space<vmem>>) target_semaphore(%arg24 : memref<!tpu.dma_semaphore, #tpu.memory_space<semaphore_mem>>)
      %dma_wait3A_132 = arith.constant 0 : i32
      %dma_wait3A_133 = tpu.memref_slice %arg3[%dma_wait3A_132] : memref<320000xi32, #tpu.memory_space<hbm>> -> memref<80xi32, #tpu.memory_space<hbm>>
      %dma_wait3A_134 = arith.constant 0 : i32
      %dma_wait3A_135 = tpu.memref_slice %arg3[%dma_wait3A_134] : memref<320000xi32, #tpu.memory_space<hbm>> -> memref<80xi32, #tpu.memory_space<hbm>>
      tpu.wait_dma2 semaphore(%arg27 : memref<!tpu.dma_semaphore, #tpu.memory_space<semaphore_mem>>) src(%dma_wait3A_135 : memref<80xi32, #tpu.memory_space<hbm>>) dst(%arg10 : memref<80xi32, #tpu.memory_space<vmem>>)
      %dma_wait3A_136 = arith.constant 0 : i32
      %dma_wait3A_137 = tpu.memref_slice %arg4[%dma_wait3A_136] : memref<320000xi32, #tpu.memory_space<hbm>> -> memref<80xi32, #tpu.memory_space<hbm>>
      %dma_wait3A_138 = arith.constant 0 : i32
      %dma_wait3A_139 = tpu.memref_slice %arg4[%dma_wait3A_138] : memref<320000xi32, #tpu.memory_space<hbm>> -> memref<80xi32, #tpu.memory_space<hbm>>
      tpu.wait_dma2 semaphore(%arg27 : memref<!tpu.dma_semaphore, #tpu.memory_space<semaphore_mem>>) src(%dma_wait3A_139 : memref<80xi32, #tpu.memory_space<hbm>>) dst(%arg14 : memref<80xi32, #tpu.memory_space<vmem>>)
      %dma_start3A_140 = arith.constant 0 : i32
      %dma_start3A_141 = arith.constant 0 : i32
      %dma_start3A_142 = tpu.memref_slice %arg2[%dma_start3A_140, %dma_start3A_141] : memref<10000x128xf32, #tpu.memory_space<hbm>> -> memref<10000x128xf32, #tpu.memory_space<hbm>>
      tpu.enqueue_indirect_dma source(%dma_start3A_142 : memref<10000x128xf32, #tpu.memory_space<hbm>>) target(%arg18 : memref<80x128xf32, #tpu.memory_space<vmem>>) offsets(%arg10 : memref<80xi32, #tpu.memory_space<vmem>>) semaphore(%arg23 : memref<!tpu.dma_semaphore, #tpu.memory_space<semaphore_mem>>)
      %dma_wait3A_143 = arith.constant 0 : i32
      %dma_wait3A_144 = arith.constant 0 : i32
      %dma_wait3A_145 = tpu.memref_slice %arg2[%dma_wait3A_143, %dma_wait3A_144] : memref<10000x128xf32, #tpu.memory_space<hbm>> -> memref<10000x128xf32, #tpu.memory_space<hbm>>
      tpu.wait_indirect_dma semaphore(%arg22 : memref<!tpu.dma_semaphore, #tpu.memory_space<semaphore_mem>>) src(%dma_wait3A_145 : memref<10000x128xf32, #tpu.memory_space<hbm>>) dst(%arg17 : memref<80x128xf32, #tpu.memory_space<vmem>>)
      %dma_start3A_146 = arith.constant 0 : i32
      %dma_start3A_147 = arith.constant 0 : i32
      %dma_start3A_148 = tpu.memref_slice %arg19[%dma_start3A_146, %dma_start3A_147] : memref<10112x128xf32, #tpu.memory_space<vmem_shared>> -> memref<10112x128xf32, #tpu.memory_space<vmem_shared>>
      tpu.enqueue_indirect_dma source(%arg17 : memref<80x128xf32, #tpu.memory_space<vmem>>) target(%dma_start3A_148 : memref<10112x128xf32, #tpu.memory_space<vmem_shared>>) offsets(%arg13 : memref<80xi32, #tpu.memory_space<vmem>>) semaphore(%arg30 : memref<!tpu.dma_semaphore, #tpu.memory_space<semaphore_mem>>) {add = true}
      %add3A_149 = arith.constant 1 : i32
      %add3A_150 = arith.addi %add3A_119, %add3A_149 : i32
      %dma_wait3A_151 = arith.constant 0 : i32
      %dma_wait3A_152 = arith.constant 0 : i32
      %dma_wait3A_153 = tpu.memref_slice %arg19[%dma_wait3A_151, %dma_wait3A_152] : memref<10112x128xf32, #tpu.memory_space<vmem_shared>> -> memref<10112x128xf32, #tpu.memory_space<vmem_shared>>
      tpu.wait_indirect_dma semaphore(%arg29 : memref<!tpu.dma_semaphore, #tpu.memory_space<semaphore_mem>>) src(%arg16 : memref<80x128xf32, #tpu.memory_space<vmem>>) dst(%dma_wait3A_153 : memref<10112x128xf32, #tpu.memory_space<vmem_shared>>)
      %add3A_154 = arith.constant 2 : i32
      %add3A_155 = arith.addi %add3A_150, %add3A_154 : i32
      %mul3A_156 = arith.constant 80 : i32
      %mul3A_157 = arith.muli %add3A_155, %mul3A_156 : i32
      %add3A_158 = arith.addi %mul3A_4, %mul3A_157 : i32
      %dma_start3A_159 = tpu.memref_slice %arg3[%add3A_158] : memref<320000xi32, #tpu.memory_space<hbm>> -> memref<80xi32, #tpu.memory_space<hbm>>
      %dma_start3A_160 = tpu.memref_slice %arg3[%add3A_158] : memref<320000xi32, #tpu.memory_space<hbm>> -> memref<80xi32, #tpu.memory_space<hbm>>
      tpu.enqueue_dma source(%dma_start3A_160 : memref<80xi32, #tpu.memory_space<hbm>>) target(%arg8 : memref<80xi32, #tpu.memory_space<vmem>>) target_semaphore(%arg25 : memref<!tpu.dma_semaphore, #tpu.memory_space<semaphore_mem>>)
      %dma_start3A_161 = tpu.memref_slice %arg4[%add3A_158] : memref<320000xi32, #tpu.memory_space<hbm>> -> memref<80xi32, #tpu.memory_space<hbm>>
      %dma_start3A_162 = tpu.memref_slice %arg4[%add3A_158] : memref<320000xi32, #tpu.memory_space<hbm>> -> memref<80xi32, #tpu.memory_space<hbm>>
      tpu.enqueue_dma source(%dma_start3A_162 : memref<80xi32, #tpu.memory_space<hbm>>) target(%arg12 : memref<80xi32, #tpu.memory_space<vmem>>) target_semaphore(%arg25 : memref<!tpu.dma_semaphore, #tpu.memory_space<semaphore_mem>>)
      %dma_wait3A_163 = arith.constant 0 : i32
      %dma_wait3A_164 = tpu.memref_slice %arg3[%dma_wait3A_163] : memref<320000xi32, #tpu.memory_space<hbm>> -> memref<80xi32, #tpu.memory_space<hbm>>
      %dma_wait3A_165 = arith.constant 0 : i32
      %dma_wait3A_166 = tpu.memref_slice %arg3[%dma_wait3A_165] : memref<320000xi32, #tpu.memory_space<hbm>> -> memref<80xi32, #tpu.memory_space<hbm>>
      tpu.wait_dma2 semaphore(%arg24 : memref<!tpu.dma_semaphore, #tpu.memory_space<semaphore_mem>>) src(%dma_wait3A_166 : memref<80xi32, #tpu.memory_space<hbm>>) dst(%arg7 : memref<80xi32, #tpu.memory_space<vmem>>)
      %dma_wait3A_167 = arith.constant 0 : i32
      %dma_wait3A_168 = tpu.memref_slice %arg4[%dma_wait3A_167] : memref<320000xi32, #tpu.memory_space<hbm>> -> memref<80xi32, #tpu.memory_space<hbm>>
      %dma_wait3A_169 = arith.constant 0 : i32
      %dma_wait3A_170 = tpu.memref_slice %arg4[%dma_wait3A_169] : memref<320000xi32, #tpu.memory_space<hbm>> -> memref<80xi32, #tpu.memory_space<hbm>>
      tpu.wait_dma2 semaphore(%arg24 : memref<!tpu.dma_semaphore, #tpu.memory_space<semaphore_mem>>) src(%dma_wait3A_170 : memref<80xi32, #tpu.memory_space<hbm>>) dst(%arg11 : memref<80xi32, #tpu.memory_space<vmem>>)
      %dma_start3A_171 = arith.constant 0 : i32
      %dma_start3A_172 = arith.constant 0 : i32
      %dma_start3A_173 = tpu.memref_slice %arg2[%dma_start3A_171, %dma_start3A_172] : memref<10000x128xf32, #tpu.memory_space<hbm>> -> memref<10000x128xf32, #tpu.memory_space<hbm>>
      tpu.enqueue_indirect_dma source(%dma_start3A_173 : memref<10000x128xf32, #tpu.memory_space<hbm>>) target(%arg15 : memref<80x128xf32, #tpu.memory_space<vmem>>) offsets(%arg7 : memref<80xi32, #tpu.memory_space<vmem>>) semaphore(%arg20 : memref<!tpu.dma_semaphore, #tpu.memory_space<semaphore_mem>>)
      %dma_wait3A_174 = arith.constant 0 : i32
      %dma_wait3A_175 = arith.constant 0 : i32
      %dma_wait3A_176 = tpu.memref_slice %arg2[%dma_wait3A_174, %dma_wait3A_175] : memref<10000x128xf32, #tpu.memory_space<hbm>> -> memref<10000x128xf32, #tpu.memory_space<hbm>>
      tpu.wait_indirect_dma semaphore(%arg23 : memref<!tpu.dma_semaphore, #tpu.memory_space<semaphore_mem>>) src(%dma_wait3A_176 : memref<10000x128xf32, #tpu.memory_space<hbm>>) dst(%arg18 : memref<80x128xf32, #tpu.memory_space<vmem>>)
      %dma_start3A_177 = arith.constant 0 : i32
      %dma_start3A_178 = arith.constant 0 : i32
      %dma_start3A_179 = tpu.memref_slice %arg19[%dma_start3A_177, %dma_start3A_178] : memref<10112x128xf32, #tpu.memory_space<vmem_shared>> -> memref<10112x128xf32, #tpu.memory_space<vmem_shared>>
      tpu.enqueue_indirect_dma source(%arg18 : memref<80x128xf32, #tpu.memory_space<vmem>>) target(%dma_start3A_179 : memref<10112x128xf32, #tpu.memory_space<vmem_shared>>) offsets(%arg14 : memref<80xi32, #tpu.memory_space<vmem>>) semaphore(%arg31 : memref<!tpu.dma_semaphore, #tpu.memory_space<semaphore_mem>>) {add = true}
      %add3A_180 = arith.constant 2 : i32
      %add3A_181 = arith.addi %add3A_119, %add3A_180 : i32
      %dma_wait3A_182 = arith.constant 0 : i32
      %dma_wait3A_183 = arith.constant 0 : i32
      %dma_wait3A_184 = tpu.memref_slice %arg19[%dma_wait3A_182, %dma_wait3A_183] : memref<10112x128xf32, #tpu.memory_space<vmem_shared>> -> memref<10112x128xf32, #tpu.memory_space<vmem_shared>>
      tpu.wait_indirect_dma semaphore(%arg30 : memref<!tpu.dma_semaphore, #tpu.memory_space<semaphore_mem>>) src(%arg17 : memref<80x128xf32, #tpu.memory_space<vmem>>) dst(%dma_wait3A_184 : memref<10112x128xf32, #tpu.memory_space<vmem_shared>>)
      %add3A_185 = arith.constant 2 : i32
      %add3A_186 = arith.addi %add3A_181, %add3A_185 : i32
      %mul3A_187 = arith.constant 80 : i32
      %mul3A_188 = arith.muli %add3A_186, %mul3A_187 : i32
      %add3A_189 = arith.addi %mul3A_4, %mul3A_188 : i32
      %dma_start3A_190 = tpu.memref_slice %arg3[%add3A_189] : memref<320000xi32, #tpu.memory_space<hbm>> -> memref<80xi32, #tpu.memory_space<hbm>>
      %dma_start3A_191 = tpu.memref_slice %arg3[%add3A_189] : memref<320000xi32, #tpu.memory_space<hbm>> -> memref<80xi32, #tpu.memory_space<hbm>>
      tpu.enqueue_dma source(%dma_start3A_191 : memref<80xi32, #tpu.memory_space<hbm>>) target(%arg9 : memref<80xi32, #tpu.memory_space<vmem>>) target_semaphore(%arg26 : memref<!tpu.dma_semaphore, #tpu.memory_space<semaphore_mem>>)
      %dma_start3A_192 = tpu.memref_slice %arg4[%add3A_189] : memref<320000xi32, #tpu.memory_space<hbm>> -> memref<80xi32, #tpu.memory_space<hbm>>
      %dma_start3A_193 = tpu.memref_slice %arg4[%add3A_189] : memref<320000xi32, #tpu.memory_space<hbm>> -> memref<80xi32, #tpu.memory_space<hbm>>
      tpu.enqueue_dma source(%dma_start3A_193 : memref<80xi32, #tpu.memory_space<hbm>>) target(%arg13 : memref<80xi32, #tpu.memory_space<vmem>>) target_semaphore(%arg26 : memref<!tpu.dma_semaphore, #tpu.memory_space<semaphore_mem>>)
      %dma_wait3A_194 = arith.constant 0 : i32
      %dma_wait3A_195 = tpu.memref_slice %arg3[%dma_wait3A_194] : memref<320000xi32, #tpu.memory_space<hbm>> -> memref<80xi32, #tpu.memory_space<hbm>>
      %dma_wait3A_196 = arith.constant 0 : i32
      %dma_wait3A_197 = tpu.memref_slice %arg3[%dma_wait3A_196] : memref<320000xi32, #tpu.memory_space<hbm>> -> memref<80xi32, #tpu.memory_space<hbm>>
      tpu.wait_dma2 semaphore(%arg25 : memref<!tpu.dma_semaphore, #tpu.memory_space<semaphore_mem>>) src(%dma_wait3A_197 : memref<80xi32, #tpu.memory_space<hbm>>) dst(%arg8 : memref<80xi32, #tpu.memory_space<vmem>>)
      %dma_wait3A_198 = arith.constant 0 : i32
      %dma_wait3A_199 = tpu.memref_slice %arg4[%dma_wait3A_198] : memref<320000xi32, #tpu.memory_space<hbm>> -> memref<80xi32, #tpu.memory_space<hbm>>
      %dma_wait3A_200 = arith.constant 0 : i32
      %dma_wait3A_201 = tpu.memref_slice %arg4[%dma_wait3A_200] : memref<320000xi32, #tpu.memory_space<hbm>> -> memref<80xi32, #tpu.memory_space<hbm>>
      tpu.wait_dma2 semaphore(%arg25 : memref<!tpu.dma_semaphore, #tpu.memory_space<semaphore_mem>>) src(%dma_wait3A_201 : memref<80xi32, #tpu.memory_space<hbm>>) dst(%arg12 : memref<80xi32, #tpu.memory_space<vmem>>)
      %dma_start3A_202 = arith.constant 0 : i32
      %dma_start3A_203 = arith.constant 0 : i32
      %dma_start3A_204 = tpu.memref_slice %arg2[%dma_start3A_202, %dma_start3A_203] : memref<10000x128xf32, #tpu.memory_space<hbm>> -> memref<10000x128xf32, #tpu.memory_space<hbm>>
      tpu.enqueue_indirect_dma source(%dma_start3A_204 : memref<10000x128xf32, #tpu.memory_space<hbm>>) target(%arg16 : memref<80x128xf32, #tpu.memory_space<vmem>>) offsets(%arg8 : memref<80xi32, #tpu.memory_space<vmem>>) semaphore(%arg21 : memref<!tpu.dma_semaphore, #tpu.memory_space<semaphore_mem>>)
      %dma_wait3A_205 = arith.constant 0 : i32
      %dma_wait3A_206 = arith.constant 0 : i32
      %dma_wait3A_207 = tpu.memref_slice %arg2[%dma_wait3A_205, %dma_wait3A_206] : memref<10000x128xf32, #tpu.memory_space<hbm>> -> memref<10000x128xf32, #tpu.memory_space<hbm>>
      tpu.wait_indirect_dma semaphore(%arg20 : memref<!tpu.dma_semaphore, #tpu.memory_space<semaphore_mem>>) src(%dma_wait3A_207 : memref<10000x128xf32, #tpu.memory_space<hbm>>) dst(%arg15 : memref<80x128xf32, #tpu.memory_space<vmem>>)
      %dma_start3A_208 = arith.constant 0 : i32
      %dma_start3A_209 = arith.constant 0 : i32
      %dma_start3A_210 = tpu.memref_slice %arg19[%dma_start3A_208, %dma_start3A_209] : memref<10112x128xf32, #tpu.memory_space<vmem_shared>> -> memref<10112x128xf32, #tpu.memory_space<vmem_shared>>
      tpu.enqueue_indirect_dma source(%arg15 : memref<80x128xf32, #tpu.memory_space<vmem>>) target(%dma_start3A_210 : memref<10112x128xf32, #tpu.memory_space<vmem_shared>>) offsets(%arg11 : memref<80xi32, #tpu.memory_space<vmem>>) semaphore(%arg28 : memref<!tpu.dma_semaphore, #tpu.memory_space<semaphore_mem>>) {add = true}
      %add3A_211 = arith.constant 3 : i32
      %add3A_212 = arith.addi %add3A_119, %add3A_211 : i32
      %dma_wait3A_213 = arith.constant 0 : i32
      %dma_wait3A_214 = arith.constant 0 : i32
      %dma_wait3A_215 = tpu.memref_slice %arg19[%dma_wait3A_213, %dma_wait3A_214] : memref<10112x128xf32, #tpu.memory_space<vmem_shared>> -> memref<10112x128xf32, #tpu.memory_space<vmem_shared>>
      tpu.wait_indirect_dma semaphore(%arg31 : memref<!tpu.dma_semaphore, #tpu.memory_space<semaphore_mem>>) src(%arg18 : memref<80x128xf32, #tpu.memory_space<vmem>>) dst(%dma_wait3A_215 : memref<10112x128xf32, #tpu.memory_space<vmem_shared>>)
      %add3A_216 = arith.constant 2 : i32
      %add3A_217 = arith.addi %add3A_212, %add3A_216 : i32
      %mul3A_218 = arith.constant 80 : i32
      %mul3A_219 = arith.muli %add3A_217, %mul3A_218 : i32
      %add3A_220 = arith.addi %mul3A_4, %mul3A_219 : i32
      %dma_start3A_221 = tpu.memref_slice %arg3[%add3A_220] : memref<320000xi32, #tpu.memory_space<hbm>> -> memref<80xi32, #tpu.memory_space<hbm>>
      %dma_start3A_222 = tpu.memref_slice %arg3[%add3A_220] : memref<320000xi32, #tpu.memory_space<hbm>> -> memref<80xi32, #tpu.memory_space<hbm>>
      tpu.enqueue_dma source(%dma_start3A_222 : memref<80xi32, #tpu.memory_space<hbm>>) target(%arg10 : memref<80xi32, #tpu.memory_space<vmem>>) target_semaphore(%arg27 : memref<!tpu.dma_semaphore, #tpu.memory_space<semaphore_mem>>)
      %dma_start3A_223 = tpu.memref_slice %arg4[%add3A_220] : memref<320000xi32, #tpu.memory_space<hbm>> -> memref<80xi32, #tpu.memory_space<hbm>>
      %dma_start3A_224 = tpu.memref_slice %arg4[%add3A_220] : memref<320000xi32, #tpu.memory_space<hbm>> -> memref<80xi32, #tpu.memory_space<hbm>>
      tpu.enqueue_dma source(%dma_start3A_224 : memref<80xi32, #tpu.memory_space<hbm>>) target(%arg14 : memref<80xi32, #tpu.memory_space<vmem>>) target_semaphore(%arg27 : memref<!tpu.dma_semaphore, #tpu.memory_space<semaphore_mem>>)
      %dma_wait3A_225 = arith.constant 0 : i32
      %dma_wait3A_226 = tpu.memref_slice %arg3[%dma_wait3A_225] : memref<320000xi32, #tpu.memory_space<hbm>> -> memref<80xi32, #tpu.memory_space<hbm>>
      %dma_wait3A_227 = arith.constant 0 : i32
      %dma_wait3A_228 = tpu.memref_slice %arg3[%dma_wait3A_227] : memref<320000xi32, #tpu.memory_space<hbm>> -> memref<80xi32, #tpu.memory_space<hbm>>
      tpu.wait_dma2 semaphore(%arg26 : memref<!tpu.dma_semaphore, #tpu.memory_space<semaphore_mem>>) src(%dma_wait3A_228 : memref<80xi32, #tpu.memory_space<hbm>>) dst(%arg9 : memref<80xi32, #tpu.memory_space<vmem>>)
      %dma_wait3A_229 = arith.constant 0 : i32
      %dma_wait3A_230 = tpu.memref_slice %arg4[%dma_wait3A_229] : memref<320000xi32, #tpu.memory_space<hbm>> -> memref<80xi32, #tpu.memory_space<hbm>>
      %dma_wait3A_231 = arith.constant 0 : i32
      %dma_wait3A_232 = tpu.memref_slice %arg4[%dma_wait3A_231] : memref<320000xi32, #tpu.memory_space<hbm>> -> memref<80xi32, #tpu.memory_space<hbm>>
      tpu.wait_dma2 semaphore(%arg26 : memref<!tpu.dma_semaphore, #tpu.memory_space<semaphore_mem>>) src(%dma_wait3A_232 : memref<80xi32, #tpu.memory_space<hbm>>) dst(%arg13 : memref<80xi32, #tpu.memory_space<vmem>>)
      %dma_start3A_233 = arith.constant 0 : i32
      %dma_start3A_234 = arith.constant 0 : i32
      %dma_start3A_235 = tpu.memref_slice %arg2[%dma_start3A_233, %dma_start3A_234] : memref<10000x128xf32, #tpu.memory_space<hbm>> -> memref<10000x128xf32, #tpu.memory_space<hbm>>
      tpu.enqueue_indirect_dma source(%dma_start3A_235 : memref<10000x128xf32, #tpu.memory_space<hbm>>) target(%arg17 : memref<80x128xf32, #tpu.memory_space<vmem>>) offsets(%arg9 : memref<80xi32, #tpu.memory_space<vmem>>) semaphore(%arg22 : memref<!tpu.dma_semaphore, #tpu.memory_space<semaphore_mem>>)
      %dma_wait3A_236 = arith.constant 0 : i32
      %dma_wait3A_237 = arith.constant 0 : i32
      %dma_wait3A_238 = tpu.memref_slice %arg2[%dma_wait3A_236, %dma_wait3A_237] : memref<10000x128xf32, #tpu.memory_space<hbm>> -> memref<10000x128xf32, #tpu.memory_space<hbm>>
      tpu.wait_indirect_dma semaphore(%arg21 : memref<!tpu.dma_semaphore, #tpu.memory_space<semaphore_mem>>) src(%dma_wait3A_238 : memref<10000x128xf32, #tpu.memory_space<hbm>>) dst(%arg16 : memref<80x128xf32, #tpu.memory_space<vmem>>)
      %dma_start3A_239 = arith.constant 0 : i32
      %dma_start3A_240 = arith.constant 0 : i32
      %dma_start3A_241 = tpu.memref_slice %arg19[%dma_start3A_239, %dma_start3A_240] : memref<10112x128xf32, #tpu.memory_space<vmem_shared>> -> memref<10112x128xf32, #tpu.memory_space<vmem_shared>>
      tpu.enqueue_indirect_dma source(%arg16 : memref<80x128xf32, #tpu.memory_space<vmem>>) target(%dma_start3A_241 : memref<10112x128xf32, #tpu.memory_space<vmem_shared>>) offsets(%arg12 : memref<80xi32, #tpu.memory_space<vmem>>) semaphore(%arg29 : memref<!tpu.dma_semaphore, #tpu.memory_space<semaphore_mem>>) {add = true}
    }
    %scan3A_52 = arith.constant 30 : i32
    %dma_wait3A_53 = arith.constant 0 : i32
    %dma_wait3A_54 = arith.constant 0 : i32
    %dma_wait3A_55 = tpu.memref_slice %arg19[%dma_wait3A_53, %dma_wait3A_54] : memref<10112x128xf32, #tpu.memory_space<vmem_shared>> -> memref<10112x128xf32, #tpu.memory_space<vmem_shared>>
    tpu.wait_indirect_dma semaphore(%arg28 : memref<!tpu.dma_semaphore, #tpu.memory_space<semaphore_mem>>) src(%arg15 : memref<80x128xf32, #tpu.memory_space<vmem>>) dst(%dma_wait3A_55 : memref<10112x128xf32, #tpu.memory_space<vmem_shared>>)
    %add3A_56 = arith.constant 9920 : i32
    %add3A_57 = arith.addi %mul3A_4, %add3A_56 : i32
    %dma_start3A_58 = tpu.memref_slice %arg3[%add3A_57] : memref<320000xi32, #tpu.memory_space<hbm>> -> memref<80xi32, #tpu.memory_space<hbm>>
    %dma_start3A_59 = tpu.memref_slice %arg3[%add3A_57] : memref<320000xi32, #tpu.memory_space<hbm>> -> memref<80xi32, #tpu.memory_space<hbm>>
    tpu.enqueue_dma source(%dma_start3A_59 : memref<80xi32, #tpu.memory_space<hbm>>) target(%arg7 : memref<80xi32, #tpu.memory_space<vmem>>) target_semaphore(%arg24 : memref<!tpu.dma_semaphore, #tpu.memory_space<semaphore_mem>>)
    %dma_start3A_60 = tpu.memref_slice %arg4[%add3A_57] : memref<320000xi32, #tpu.memory_space<hbm>> -> memref<80xi32, #tpu.memory_space<hbm>>
    %dma_start3A_61 = tpu.memref_slice %arg4[%add3A_57] : memref<320000xi32, #tpu.memory_space<hbm>> -> memref<80xi32, #tpu.memory_space<hbm>>
    tpu.enqueue_dma source(%dma_start3A_61 : memref<80xi32, #tpu.memory_space<hbm>>) target(%arg11 : memref<80xi32, #tpu.memory_space<vmem>>) target_semaphore(%arg24 : memref<!tpu.dma_semaphore, #tpu.memory_space<semaphore_mem>>)
    %dma_wait3A_62 = arith.constant 0 : i32
    %dma_wait3A_63 = tpu.memref_slice %arg3[%dma_wait3A_62] : memref<320000xi32, #tpu.memory_space<hbm>> -> memref<80xi32, #tpu.memory_space<hbm>>
    %dma_wait3A_64 = arith.constant 0 : i32
    %dma_wait3A_65 = tpu.memref_slice %arg3[%dma_wait3A_64] : memref<320000xi32, #tpu.memory_space<hbm>> -> memref<80xi32, #tpu.memory_space<hbm>>
    tpu.wait_dma2 semaphore(%arg27 : memref<!tpu.dma_semaphore, #tpu.memory_space<semaphore_mem>>) src(%dma_wait3A_65 : memref<80xi32, #tpu.memory_space<hbm>>) dst(%arg10 : memref<80xi32, #tpu.memory_space<vmem>>)
    %dma_wait3A_66 = arith.constant 0 : i32
    %dma_wait3A_67 = tpu.memref_slice %arg4[%dma_wait3A_66] : memref<320000xi32, #tpu.memory_space<hbm>> -> memref<80xi32, #tpu.memory_space<hbm>>
    %dma_wait3A_68 = arith.constant 0 : i32
    %dma_wait3A_69 = tpu.memref_slice %arg4[%dma_wait3A_68] : memref<320000xi32, #tpu.memory_space<hbm>> -> memref<80xi32, #tpu.memory_space<hbm>>
    tpu.wait_dma2 semaphore(%arg27 : memref<!tpu.dma_semaphore, #tpu.memory_space<semaphore_mem>>) src(%dma_wait3A_69 : memref<80xi32, #tpu.memory_space<hbm>>) dst(%arg14 : memref<80xi32, #tpu.memory_space<vmem>>)
    %dma_start3A_70 = arith.constant 0 : i32
    %dma_start3A_71 = arith.constant 0 : i32
    %dma_start3A_72 = tpu.memref_slice %arg2[%dma_start3A_70, %dma_start3A_71] : memref<10000x128xf32, #tpu.memory_space<hbm>> -> memref<10000x128xf32, #tpu.memory_space<hbm>>
    tpu.enqueue_indirect_dma source(%dma_start3A_72 : memref<10000x128xf32, #tpu.memory_space<hbm>>) target(%arg18 : memref<80x128xf32, #tpu.memory_space<vmem>>) offsets(%arg10 : memref<80xi32, #tpu.memory_space<vmem>>) semaphore(%arg23 : memref<!tpu.dma_semaphore, #tpu.memory_space<semaphore_mem>>)
    %dma_wait3A_73 = arith.constant 0 : i32
    %dma_wait3A_74 = arith.constant 0 : i32
    %dma_wait3A_75 = tpu.memref_slice %arg2[%dma_wait3A_73, %dma_wait3A_74] : memref<10000x128xf32, #tpu.memory_space<hbm>> -> memref<10000x128xf32, #tpu.memory_space<hbm>>
    tpu.wait_indirect_dma semaphore(%arg22 : memref<!tpu.dma_semaphore, #tpu.memory_space<semaphore_mem>>) src(%dma_wait3A_75 : memref<10000x128xf32, #tpu.memory_space<hbm>>) dst(%arg17 : memref<80x128xf32, #tpu.memory_space<vmem>>)
    %dma_start3A_76 = arith.constant 0 : i32
    %dma_start3A_77 = arith.constant 0 : i32
    %dma_start3A_78 = tpu.memref_slice %arg19[%dma_start3A_76, %dma_start3A_77] : memref<10112x128xf32, #tpu.memory_space<vmem_shared>> -> memref<10112x128xf32, #tpu.memory_space<vmem_shared>>
    tpu.enqueue_indirect_dma source(%arg17 : memref<80x128xf32, #tpu.memory_space<vmem>>) target(%dma_start3A_78 : memref<10112x128xf32, #tpu.memory_space<vmem_shared>>) offsets(%arg13 : memref<80xi32, #tpu.memory_space<vmem>>) semaphore(%arg30 : memref<!tpu.dma_semaphore, #tpu.memory_space<semaphore_mem>>) {add = true}
    %dma_wait3A_79 = arith.constant 0 : i32
    %dma_wait3A_80 = tpu.memref_slice %arg3[%dma_wait3A_79] : memref<320000xi32, #tpu.memory_space<hbm>> -> memref<80xi32, #tpu.memory_space<hbm>>
    %dma_wait3A_81 = arith.constant 0 : i32
    %dma_wait3A_82 = tpu.memref_slice %arg3[%dma_wait3A_81] : memref<320000xi32, #tpu.memory_space<hbm>> -> memref<80xi32, #tpu.memory_space<hbm>>
    tpu.wait_dma2 semaphore(%arg24 : memref<!tpu.dma_semaphore, #tpu.memory_space<semaphore_mem>>) src(%dma_wait3A_82 : memref<80xi32, #tpu.memory_space<hbm>>) dst(%arg7 : memref<80xi32, #tpu.memory_space<vmem>>)
    %dma_wait3A_83 = arith.constant 0 : i32
    %dma_wait3A_84 = tpu.memref_slice %arg4[%dma_wait3A_83] : memref<320000xi32, #tpu.memory_space<hbm>> -> memref<80xi32, #tpu.memory_space<hbm>>
    %dma_wait3A_85 = arith.constant 0 : i32
    %dma_wait3A_86 = tpu.memref_slice %arg4[%dma_wait3A_85] : memref<320000xi32, #tpu.memory_space<hbm>> -> memref<80xi32, #tpu.memory_space<hbm>>
    tpu.wait_dma2 semaphore(%arg24 : memref<!tpu.dma_semaphore, #tpu.memory_space<semaphore_mem>>) src(%dma_wait3A_86 : memref<80xi32, #tpu.memory_space<hbm>>) dst(%arg11 : memref<80xi32, #tpu.memory_space<vmem>>)
    %dma_start3A_87 = arith.constant 0 : i32
    %dma_start3A_88 = arith.constant 0 : i32
    %dma_start3A_89 = tpu.memref_slice %arg2[%dma_start3A_87, %dma_start3A_88] : memref<10000x128xf32, #tpu.memory_space<hbm>> -> memref<10000x128xf32, #tpu.memory_space<hbm>>
    tpu.enqueue_indirect_dma source(%dma_start3A_89 : memref<10000x128xf32, #tpu.memory_space<hbm>>) target(%arg15 : memref<80x128xf32, #tpu.memory_space<vmem>>) offsets(%arg7 : memref<80xi32, #tpu.memory_space<vmem>>) semaphore(%arg20 : memref<!tpu.dma_semaphore, #tpu.memory_space<semaphore_mem>>)
    %dma_wait3A_90 = arith.constant 0 : i32
    %dma_wait3A_91 = arith.constant 0 : i32
    %dma_wait3A_92 = tpu.memref_slice %arg2[%dma_wait3A_90, %dma_wait3A_91] : memref<10000x128xf32, #tpu.memory_space<hbm>> -> memref<10000x128xf32, #tpu.memory_space<hbm>>
    tpu.wait_indirect_dma semaphore(%arg23 : memref<!tpu.dma_semaphore, #tpu.memory_space<semaphore_mem>>) src(%dma_wait3A_92 : memref<10000x128xf32, #tpu.memory_space<hbm>>) dst(%arg18 : memref<80x128xf32, #tpu.memory_space<vmem>>)
    %dma_start3A_93 = arith.constant 0 : i32
    %dma_start3A_94 = arith.constant 0 : i32
    %dma_start3A_95 = tpu.memref_slice %arg19[%dma_start3A_93, %dma_start3A_94] : memref<10112x128xf32, #tpu.memory_space<vmem_shared>> -> memref<10112x128xf32, #tpu.memory_space<vmem_shared>>
    tpu.enqueue_indirect_dma source(%arg18 : memref<80x128xf32, #tpu.memory_space<vmem>>) target(%dma_start3A_95 : memref<10112x128xf32, #tpu.memory_space<vmem_shared>>) offsets(%arg14 : memref<80xi32, #tpu.memory_space<vmem>>) semaphore(%arg31 : memref<!tpu.dma_semaphore, #tpu.memory_space<semaphore_mem>>) {add = true}
    %dma_wait3A_96 = arith.constant 0 : i32
    %dma_wait3A_97 = arith.constant 0 : i32
    %dma_wait3A_98 = tpu.memref_slice %arg2[%dma_wait3A_96, %dma_wait3A_97] : memref<10000x128xf32, #tpu.memory_space<hbm>> -> memref<10000x128xf32, #tpu.memory_space<hbm>>
    tpu.wait_indirect_dma semaphore(%arg20 : memref<!tpu.dma_semaphore, #tpu.memory_space<semaphore_mem>>) src(%dma_wait3A_98 : memref<10000x128xf32, #tpu.memory_space<hbm>>) dst(%arg15 : memref<80x128xf32, #tpu.memory_space<vmem>>)
    %dma_start3A_99 = arith.constant 0 : i32
    %dma_start3A_100 = arith.constant 0 : i32
    %dma_start3A_101 = tpu.memref_slice %arg19[%dma_start3A_99, %dma_start3A_100] : memref<10112x128xf32, #tpu.memory_space<vmem_shared>> -> memref<10112x128xf32, #tpu.memory_space<vmem_shared>>
    tpu.enqueue_indirect_dma source(%arg15 : memref<80x128xf32, #tpu.memory_space<vmem>>) target(%dma_start3A_101 : memref<10112x128xf32, #tpu.memory_space<vmem_shared>>) offsets(%arg11 : memref<80xi32, #tpu.memory_space<vmem>>) semaphore(%arg28 : memref<!tpu.dma_semaphore, #tpu.memory_space<semaphore_mem>>) {add = true}
    %dma_wait3A_102 = arith.constant 0 : i32
    %dma_wait3A_103 = arith.constant 0 : i32
    %dma_wait3A_104 = tpu.memref_slice %arg19[%dma_wait3A_102, %dma_wait3A_103] : memref<10112x128xf32, #tpu.memory_space<vmem_shared>> -> memref<10112x128xf32, #tpu.memory_space<vmem_shared>>
    tpu.wait_indirect_dma semaphore(%arg29 : memref<!tpu.dma_semaphore, #tpu.memory_space<semaphore_mem>>) src(%arg16 : memref<80x128xf32, #tpu.memory_space<vmem>>) dst(%dma_wait3A_104 : memref<10112x128xf32, #tpu.memory_space<vmem_shared>>)
    %dma_wait3A_105 = arith.constant 0 : i32
    %dma_wait3A_106 = arith.constant 0 : i32
    %dma_wait3A_107 = tpu.memref_slice %arg19[%dma_wait3A_105, %dma_wait3A_106] : memref<10112x128xf32, #tpu.memory_space<vmem_shared>> -> memref<10112x128xf32, #tpu.memory_space<vmem_shared>>
    tpu.wait_indirect_dma semaphore(%arg30 : memref<!tpu.dma_semaphore, #tpu.memory_space<semaphore_mem>>) src(%arg17 : memref<80x128xf32, #tpu.memory_space<vmem>>) dst(%dma_wait3A_107 : memref<10112x128xf32, #tpu.memory_space<vmem_shared>>)
    %dma_wait3A_108 = arith.constant 0 : i32
    %dma_wait3A_109 = arith.constant 0 : i32
    %dma_wait3A_110 = tpu.memref_slice %arg19[%dma_wait3A_108, %dma_wait3A_109] : memref<10112x128xf32, #tpu.memory_space<vmem_shared>> -> memref<10112x128xf32, #tpu.memory_space<vmem_shared>>
    tpu.wait_indirect_dma semaphore(%arg31 : memref<!tpu.dma_semaphore, #tpu.memory_space<semaphore_mem>>) src(%arg18 : memref<80x128xf32, #tpu.memory_space<vmem>>) dst(%dma_wait3A_110 : memref<10112x128xf32, #tpu.memory_space<vmem_shared>>)
    %dma_wait3A_111 = arith.constant 0 : i32
    %dma_wait3A_112 = arith.constant 0 : i32
    %dma_wait3A_113 = tpu.memref_slice %arg19[%dma_wait3A_111, %dma_wait3A_112] : memref<10112x128xf32, #tpu.memory_space<vmem_shared>> -> memref<10112x128xf32, #tpu.memory_space<vmem_shared>>
    tpu.wait_indirect_dma semaphore(%arg28 : memref<!tpu.dma_semaphore, #tpu.memory_space<semaphore_mem>>) src(%arg15 : memref<80x128xf32, #tpu.memory_space<vmem>>) dst(%dma_wait3A_113 : memref<10112x128xf32, #tpu.memory_space<vmem_shared>>)
    %barrier3A_114 = arith.constant 0 : index
    tpu.barrier barrier_id(%barrier3A_114)
    "tpu.region"() ({
      %run_scoped3A = tpu.sem_alloc : memref<!tpu.dma_semaphore, #tpu.memory_space<semaphore_mem>>
      %dma_start3A_115 = arith.constant 0 : i32
      %dma_start3A_116 = tpu.memref_slice %arg6[%arg0, %mul3A_2, %dma_start3A_115] : memref<2x10112x128xf32, #tpu.memory_space<hbm>> -> memref<1x632x128xf32, #tpu.memory_space<hbm>>
      %dma_start3A_117 = tpu.memref_squeeze %dma_start3A_116 : memref<1x632x128xf32, #tpu.memory_space<hbm>> -> memref<632x128xf32, #tpu.memory_space<hbm>>
      %dma_start3A_118 = arith.constant 0 : i32
      %dma_start3A_119 = tpu.memref_slice %arg19[%mul3A_2, %dma_start3A_118] : memref<10112x128xf32, #tpu.memory_space<vmem_shared>> -> memref<632x128xf32, #tpu.memory_space<vmem_shared>>
      tpu.enqueue_dma source(%dma_start3A_119 : memref<632x128xf32, #tpu.memory_space<vmem_shared>>) target(%dma_start3A_117 : memref<632x128xf32, #tpu.memory_space<hbm>>) target_semaphore(%run_scoped3A : memref<!tpu.dma_semaphore, #tpu.memory_space<semaphore_mem>>)
      %dma_wait3A_120 = arith.constant 0 : i32
      %dma_wait3A_121 = tpu.memref_slice %arg6[%arg0, %mul3A_2, %dma_wait3A_120] : memref<2x10112x128xf32, #tpu.memory_space<hbm>> -> memref<1x632x128xf32, #tpu.memory_space<hbm>>
      %dma_wait3A_122 = tpu.memref_squeeze %dma_wait3A_121 : memref<1x632x128xf32, #tpu.memory_space<hbm>> -> memref<632x128xf32, #tpu.memory_space<hbm>>
      %dma_wait3A_123 = arith.constant 0 : i32
      %dma_wait3A_124 = tpu.memref_slice %arg19[%mul3A_2, %dma_wait3A_123] : memref<10112x128xf32, #tpu.memory_space<vmem_shared>> -> memref<632x128xf32, #tpu.memory_space<vmem_shared>>
      tpu.wait_dma2 semaphore(%run_scoped3A : memref<!tpu.dma_semaphore, #tpu.memory_space<semaphore_mem>>) src(%dma_wait3A_124 : memref<632x128xf32, #tpu.memory_space<vmem_shared>>) dst(%dma_wait3A_122 : memref<632x128xf32, #tpu.memory_space<hbm>>)
      tpu.yield
    }) : () -> ()
    return
  }
}

module attributes {stable_mosaic.version = 14 : i64} {
  func.func @body(%arg0: i32, %arg1: memref<1xi32, #tpu.memory_space<smem>>, %arg2: memref<64xf32, #tpu.memory_space<vmem>>, %arg3: memref<400x64x64xf32, #tpu.memory_space<vmem>>, %arg4: memref<2x400x128xf32, #tpu.memory_space<vmem>>, %arg5: memref<400x128xf32, #tpu.memory_space<vmem>>) attributes {dimension_semantics = [#tpu.dimension_semantics<arbitrary>], iteration_bounds = array<i64: 25>, scalar_prefetch = 0 : i64, scratch_operands = 0 : i64, tpu.core_type = #tpu.core_type<tc>, window_params = [{transform_indices = @transform_0, window_bounds = array<i64: 1>}, {pipeline_mode = #tpu.pipeline_mode<synchronous>, transform_indices = @transform_1, window_bounds = array<i64: 64>}, {transform_indices = @transform_2, window_bounds = array<i64: 400, 64, 64>}, {transform_indices = @transform_3, window_bounds = array<i64: 2, 400, 128>}, {transform_indices = @transform_4, window_bounds = array<i64: 400, 128>}]} {
    %get3A = arith.constant 0 : index
    %get3A_0 = arith.constant 0 : index
    %get3A_1 = arith.constant 0 : index
    %get3A_2 = vector.load %arg4[%get3A, %get3A_0, %get3A_1] : memref<2x400x128xf32, #tpu.memory_space<vmem>>, vector<1x400x64xf32>
    %get3A_3 = vector.shape_cast %get3A_2 : vector<1x400x64xf32> to vector<400x64xf32>
    %get3A_4 = arith.constant 1 : index
    %get3A_5 = arith.constant 0 : index
    %get3A_6 = arith.constant 0 : index
    %get3A_7 = vector.load %arg4[%get3A_4, %get3A_5, %get3A_6] : memref<2x400x128xf32, #tpu.memory_space<vmem>>, vector<1x400x64xf32>
    %get3A_8 = vector.shape_cast %get3A_7 : vector<1x400x64xf32> to vector<400x64xf32>
    %add3A = arith.addf %get3A_3, %get3A_8 : vector<400x64xf32>
    %get3A_9 = arith.constant 0 : index
    %get3A_10 = arith.constant 0 : index
    %get3A_11 = arith.constant 64 : index
    %get3A_12 = vector.load %arg4[%get3A_9, %get3A_10, %get3A_11] : memref<2x400x128xf32, #tpu.memory_space<vmem>>, vector<1x400x1xf32>
    %get3A_13 = vector.shape_cast %get3A_12 : vector<1x400x1xf32> to vector<400x1xf32>
    %get3A_14 = arith.constant 1 : index
    %get3A_15 = arith.constant 0 : index
    %get3A_16 = arith.constant 64 : index
    %get3A_17 = vector.load %arg4[%get3A_14, %get3A_15, %get3A_16] : memref<2x400x128xf32, #tpu.memory_space<vmem>>, vector<1x400x1xf32>
    %get3A_18 = vector.shape_cast %get3A_17 : vector<1x400x1xf32> to vector<400x1xf32>
    %add3A_19 = arith.addf %get3A_13, %get3A_18 : vector<400x1xf32>
    %max3A = arith.constant 1.000000e+00 : f32
    %max3A_20 = vector.broadcast %max3A : f32 to vector<400x1xf32>
    %max3A_21 = arith.maximumf %add3A_19, %max3A_20 : vector<400x1xf32>
    %div3A = vector.broadcast %max3A_21 : vector<400x1xf32> to vector<400x64xf32>
    %div3A_22 = arith.divf %add3A, %div3A : vector<400x64xf32>
    %get3A_23 = arith.constant 0 : index
    %get3A_24 = memref.load %arg1[%get3A_23] : memref<1xi32, #tpu.memory_space<smem>>
    %eq3A = arith.constant 0 : i32
    %eq3A_25 = arith.cmpi eq, %get3A_24, %eq3A : i32
    %get3A_26 = arith.constant 0 : index
    %get3A_27 = vector.load %arg2[%get3A_26] : memref<64xf32, #tpu.memory_space<vmem>>, vector<64xf32>
    %broadcast_in_dim3A = vector.shape_cast %get3A_27 : vector<64xf32> to vector<1x64xf32>
    %broadcast_in_dim3A_28 = vector.shape_cast %broadcast_in_dim3A : vector<1x64xf32> to vector<1x64xf32>
    %broadcast_in_dim3A_29 = vector.broadcast %broadcast_in_dim3A_28 : vector<1x64xf32> to vector<400x64xf32>
    %select_n3A = arith.select %eq3A_25, %broadcast_in_dim3A_29, %div3A_22 : vector<400x64xf32>
    %get3A_30 = arith.constant 0 : index
    %get3A_31 = arith.constant 0 : index
    %get3A_32 = arith.constant 0 : index
    %get3A_33 = vector.load %arg3[%get3A_30, %get3A_31, %get3A_32] : memref<400x64x64xf32, #tpu.memory_space<vmem>>, vector<400x64x64xf32>
    %broadcast_in_dim3A_34 = vector.shape_cast %select_n3A : vector<400x64xf32> to vector<400x1x64xf32>
    %mul3A = vector.broadcast %broadcast_in_dim3A_34 : vector<400x1x64xf32> to vector<400x64x64xf32>
    %mul3A_35 = arith.mulf %get3A_33, %mul3A : vector<400x64x64xf32>
    %reduce_sum3A = arith.constant dense<0.000000e+00> : vector<400x64xf32>
    %reduce_sum3A_36 = vector.multi_reduction <add>, %mul3A_35, %reduce_sum3A [2] : vector<400x64x64xf32> to vector<400x64xf32>
    %get3A_37 = arith.constant 0 : index
    %get3A_38 = memref.load %arg1[%get3A_37] : memref<1xi32, #tpu.memory_space<smem>>
    %lt3A = arith.constant 2 : i32
    %lt3A_39 = arith.cmpi slt, %get3A_38, %lt3A : i32
    %max3A_40 = arith.constant 0.000000e+00 : f32
    %max3A_41 = vector.broadcast %max3A_40 : f32 to vector<400x64xf32>
    %max3A_42 = arith.maximumf %reduce_sum3A_36, %max3A_41 : vector<400x64xf32>
    %select_n3A_43 = arith.select %lt3A_39, %max3A_42, %reduce_sum3A_36 : vector<400x64xf32>
    %broadcast_in_dim3A_44 = arith.constant 1.000000e+00 : f32
    %broadcast_in_dim3A_45 = vector.broadcast %broadcast_in_dim3A_44 : f32 to vector<400x1xf32>
    %broadcast_in_dim3A_46 = arith.constant 0.000000e+00 : f32
    %broadcast_in_dim3A_47 = vector.broadcast %broadcast_in_dim3A_46 : f32 to vector<400x63xf32>
    %concatenate3A = tpu.concatenate %select_n3A_43, %broadcast_in_dim3A_45, %broadcast_in_dim3A_47 in 1 : vector<400x64xf32>, vector<400x1xf32>, vector<400x63xf32> -> vector<400x128xf32>
    %swap3A = arith.constant 0 : index
    %swap3A_48 = arith.constant 0 : index
    %swap3A_49 = vector.load %arg5[%swap3A, %swap3A_48] : memref<400x128xf32, #tpu.memory_space<vmem>>, vector<400x128xf32>
    tpu.vector_store %arg5[%swap3A, %swap3A_48], %concatenate3A {strides = array<i32>} : memref<400x128xf32, #tpu.memory_space<vmem>>, vector<400x128xf32>,
    return
  }
  func.func @transform_0(%arg0: i32) -> i32 {
    %c0_i32 = arith.constant 0 : i32
    %c0_i32_0 = arith.constant 0 : i32
    return %c0_i32 : i32
  }
  func.func @transform_1(%arg0: i32) -> i32 {
    %c0_i32 = arith.constant 0 : i32
    %c0_i32_0 = arith.constant 0 : i32
    return %c0_i32 : i32
  }
  func.func @transform_2(%arg0: i32) -> (i32, i32, i32) {
    %c0_i32 = arith.constant 0 : i32
    %c0_i32_0 = arith.constant 0 : i32
    %c0_i32_1 = arith.constant 0 : i32
    return %arg0, %c0_i32, %c0_i32_0 : i32, i32, i32
  }
  func.func @transform_3(%arg0: i32) -> (i32, i32, i32) {
    %c0_i32 = arith.constant 0 : i32
    %c0_i32_0 = arith.constant 0 : i32
    %c0_i32_1 = arith.constant 0 : i32
    return %c0_i32, %arg0, %c0_i32_0 : i32, i32, i32
  }
  func.func @transform_4(%arg0: i32) -> (i32, i32) {
    %c0_i32 = arith.constant 0 : i32
    %c0_i32_0 = arith.constant 0 : i32
    return %arg0, %c0_i32 : i32, i32
  }
}

module attributes {stable_mosaic.version = 14 : i64} {
  func.func @body(%arg0: i32, %arg1: memref<2x400x128xf32, #tpu.memory_space<vmem>>, %arg2: memref<64x64xf32, #tpu.memory_space<vmem>>, %arg3: memref<64xf32, #tpu.memory_space<vmem>>, %arg4: memref<64xf32, #tpu.memory_space<vmem>>, %arg5: memref<64xf32, #tpu.memory_space<vmem>>) attributes {dimension_semantics = [#tpu.dimension_semantics<arbitrary>], iteration_bounds = array<i64: 25>, scalar_prefetch = 0 : i64, scratch_operands = 1 : i64, tpu.core_type = #tpu.core_type<tc>, window_params = [{transform_indices = @transform_0, window_bounds = array<i64: 2, 400, 128>}, {pipeline_mode = #tpu.pipeline_mode<synchronous>, transform_indices = @transform_1, window_bounds = array<i64: 64, 64>}, {pipeline_mode = #tpu.pipeline_mode<synchronous>, transform_indices = @transform_2, window_bounds = array<i64: 64>}, {pipeline_mode = #tpu.pipeline_mode<synchronous>, transform_indices = @transform_3, window_bounds = array<i64: 64>}]} {
    %eq3A = arith.constant 0 : i32
    %eq3A_0 = arith.cmpi eq, %arg0, %eq3A : i32
    %convert_element_type3A = arith.extui %eq3A_0 : i1 to i32
    %cond3A = arith.constant 0 : i32
    %cond3A_1 = arith.cmpi ne, %convert_element_type3A, %cond3A : i32
    scf.if %cond3A_1 {
      %broadcast_in_dim3A = arith.constant 0.000000e+00 : f32
      %broadcast_in_dim3A_35 = vector.broadcast %broadcast_in_dim3A : f32 to vector<64xf32>
      %swap3A_36 = arith.constant 0 : index
      %swap3A_37 = vector.load %arg5[%swap3A_36] : memref<64xf32, #tpu.memory_space<vmem>>, vector<64xf32>
      tpu.vector_store %arg5[%swap3A_36], %broadcast_in_dim3A_35 {strides = array<i32>} : memref<64xf32, #tpu.memory_space<vmem>>, vector<64xf32>,
    } else {
    }
    %get3A = arith.constant 0 : index
    %get3A_2 = arith.constant 0 : index
    %get3A_3 = arith.constant 0 : index
    %get3A_4 = vector.load %arg1[%get3A, %get3A_2, %get3A_3] : memref<2x400x128xf32, #tpu.memory_space<vmem>>, vector<1x400x64xf32>
    %get3A_5 = vector.shape_cast %get3A_4 : vector<1x400x64xf32> to vector<400x64xf32>
    %get3A_6 = arith.constant 1 : index
    %get3A_7 = arith.constant 0 : index
    %get3A_8 = arith.constant 0 : index
    %get3A_9 = vector.load %arg1[%get3A_6, %get3A_7, %get3A_8] : memref<2x400x128xf32, #tpu.memory_space<vmem>>, vector<1x400x64xf32>
    %get3A_10 = vector.shape_cast %get3A_9 : vector<1x400x64xf32> to vector<400x64xf32>
    %add3A = arith.addf %get3A_5, %get3A_10 : vector<400x64xf32>
    %get3A_11 = arith.constant 0 : index
    %get3A_12 = arith.constant 0 : index
    %get3A_13 = arith.constant 64 : index
    %get3A_14 = vector.load %arg1[%get3A_11, %get3A_12, %get3A_13] : memref<2x400x128xf32, #tpu.memory_space<vmem>>, vector<1x400x1xf32>
    %get3A_15 = vector.shape_cast %get3A_14 : vector<1x400x1xf32> to vector<400x1xf32>
    %get3A_16 = arith.constant 1 : index
    %get3A_17 = arith.constant 0 : index
    %get3A_18 = arith.constant 64 : index
    %get3A_19 = vector.load %arg1[%get3A_16, %get3A_17, %get3A_18] : memref<2x400x128xf32, #tpu.memory_space<vmem>>, vector<1x400x1xf32>
    %get3A_20 = vector.shape_cast %get3A_19 : vector<1x400x1xf32> to vector<400x1xf32>
    %add3A_21 = arith.addf %get3A_15, %get3A_20 : vector<400x1xf32>
    %max3A = arith.constant 1.000000e+00 : f32
    %max3A_22 = vector.broadcast %max3A : f32 to vector<400x1xf32>
    %max3A_23 = arith.maximumf %add3A_21, %max3A_22 : vector<400x1xf32>
    %div3A = vector.broadcast %max3A_23 : vector<400x1xf32> to vector<400x64xf32>
    %div3A_24 = arith.divf %add3A, %div3A : vector<400x64xf32>
    %get3A_25 = arith.constant 0 : index
    %get3A_26 = vector.load %arg5[%get3A_25] : memref<64xf32, #tpu.memory_space<vmem>>, vector<64xf32>
    %reduce_sum3A = arith.constant dense<0.000000e+00> : vector<64xf32>
    %reduce_sum3A_27 = vector.multi_reduction <add>, %div3A_24, %reduce_sum3A [0] : vector<400x64xf32> to vector<64xf32>
    %add3A_28 = arith.addf %get3A_26, %reduce_sum3A_27 : vector<64xf32>
    %swap3A = arith.constant 0 : index
    %swap3A_29 = vector.load %arg5[%swap3A] : memref<64xf32, #tpu.memory_space<vmem>>, vector<64xf32>
    tpu.vector_store %arg5[%swap3A], %add3A_28 {strides = array<i32>} : memref<64xf32, #tpu.memory_space<vmem>>, vector<64xf32>,
    %eq3A_30 = arith.constant 24 : i32
    %eq3A_31 = arith.cmpi eq, %arg0, %eq3A_30 : i32
    %convert_element_type3A_32 = arith.extui %eq3A_31 : i1 to i32
    %cond3A_33 = arith.constant 0 : i32
    %cond3A_34 = arith.cmpi ne, %convert_element_type3A_32, %cond3A_33 : i32
    scf.if %cond3A_34 {
      %get3A_35 = arith.constant 0 : index
      %get3A_36 = vector.load %arg5[%get3A_35] : memref<64xf32, #tpu.memory_space<vmem>>, vector<64xf32>
      %div3A_37 = arith.constant 1.000000e+04 : f32
      %div3A_38 = vector.broadcast %div3A_37 : f32 to vector<64xf32>
      %div3A_39 = arith.divf %get3A_36, %div3A_38 : vector<64xf32>
      %get3A_40 = arith.constant 0 : index
      %get3A_41 = arith.constant 0 : index
      %get3A_42 = vector.load %arg2[%get3A_40, %get3A_41] : memref<64x64xf32, #tpu.memory_space<vmem>>, vector<64x64xf32>
      %dot_general3A = arith.constant dense<0.000000e+00> : vector<64xf32>
      %dot_general3A_43 = tpu.matmul %get3A_42, %div3A_39, %dot_general3A {dimension_numbers = #tpu.dot_dimension_numbers<[1], [0], [0], [], [0, 0], [], []>, transpose_lhs_hint = false} : vector<64x64xf32>, vector<64xf32>, vector<64xf32> -> vector<64xf32>
      %get3A_44 = arith.constant 0 : index
      %get3A_45 = vector.load %arg3[%get3A_44] : memref<64xf32, #tpu.memory_space<vmem>>, vector<64xf32>
      %add3A_46 = arith.addf %dot_general3A_43, %get3A_45 : vector<64xf32>
      %tanh3A = math.tanh %add3A_46 : vector<64xf32>
      %swap3A_47 = arith.constant 0 : index
      %swap3A_48 = vector.load %arg4[%swap3A_47] : memref<64xf32, #tpu.memory_space<vmem>>, vector<64xf32>
      tpu.vector_store %arg4[%swap3A_47], %tanh3A {strides = array<i32>} : memref<64xf32, #tpu.memory_space<vmem>>, vector<64xf32>,
    } else {
    }
    return
  }
  func.func @transform_0(%arg0: i32) -> (i32, i32, i32) {
    %c0_i32 = arith.constant 0 : i32
    %c0_i32_0 = arith.constant 0 : i32
    %c0_i32_1 = arith.constant 0 : i32
    return %c0_i32, %arg0, %c0_i32_0 : i32, i32, i32
  }
  func.func @transform_1(%arg0: i32) -> (i32, i32) {
    %c0_i32 = arith.constant 0 : i32
    %c0_i32_0 = arith.constant 0 : i32
    %c0_i32_1 = arith.constant 0 : i32
    return %c0_i32, %c0_i32_0 : i32, i32
  }
  func.func @transform_2(%arg0: i32) -> i32 {
    %c0_i32 = arith.constant 0 : i32
    %c0_i32_0 = arith.constant 0 : i32
    return %c0_i32 : i32
  }
  func.func @transform_3(%arg0: i32) -> i32 {
    %c0_i32 = arith.constant 0 : i32
    %c0_i32_0 = arith.constant 0 : i32
    return %c0_i32 : i32
  }
}

</mosaic_0001>

<sc_bundles>
// kernel: closed_call.9.cloned.1.call-start
scs
__scs_entry_jumppad:
0x0: {  	(pc) =	sbr.rel $0x88, $3  }
0x1: {  	(tag) =	ssettag $0x0;
	lr =	simm.s32 $0x1  }
0x2: {  	[smem:$0x3F9C] =	sst lr;
	_ =	strace $0xD0000000  }
0x3: {  	_ = 	snop  }
0x4: {  	_ = 	snop  }
0x5: {  	_ = 	snop  }
0x6: {  	_ = 	snop  }
0x7: {  	_ = 	snop  }
__scs_overlays_trampoline_lowered:
0x8: {  	[smem:$0x3FAB] =	sst s0  }
0x9: {  	[smem:$0x3FAC] =	sst s1  }
0xa: {  	[smem:$0x3FAD] =	sst s2  }
0xb: {  	[smem:$0x3FAE] =	sst s3  }
0xc: {  	[smem:$0x3FAF] =	sst s4  }
0xd: {  	[smem:$0x3FB0] =	sst s5  }
0xe: {  	[smem:$0x3FB1] =	sst s6  }
0xf: {  	[smem:$0x3FB2] =	sst s7  }
0x10: {  	[smem:$0x3FB3] =	sst s8  }
0x11: {  	[smem:$0x3FB4] =	sst s9;
	s0 =	simm.s32 @!p0 $0x0  }
0x12: {  	s1 =	sld [smem:$0x3F9A];
	s0 =	simm.s32 @p0 $0x1  }
0x13: {  	[smem:$0x3FB5] =	sst s0;
	s0 =	simm.s32 @!p1 $0x0  }
0x14: {  	s2 =	sld [smem:$0x3F99];
	s0 =	simm.s32 @p1 $0x1  }
0x15: {  	[smem:$0x3FB6] =	sst s0;
	s0 =	simm.s32 @!p2 $0x0  }
0x16: {  	s3 =	sld [smem:$0x3FDB];
	s0 =	simm.s32 @p2 $0x1  }
0x17: {  	s4 =	simm.s32 $0x1BF5;
	[smem:$0x3FB8] =	sst s0  }
0x18: {  	s0 =	sld [smem:$0x3F9B];
	_ =	swait.ge [sflag:s4], $0x0  }
0x19: {  	s7 =	sld [smem:$0x3F9C]  }
0x1a: {  	s8 =	sadd.s32 $0xFFFFE003, lr  }
0x1b: {  	s9 =	sadd.s32 $0xFFFFFEF7, lr;
	s5 =	simm.s32 $0xFFFFFFFF;
	p2 =	slt.u32 s8, $0xFFFFF086  }
0x1c: {  	p1 =	slt.u32 s9, $0xF7A;
	s5 =	simm.s32 @!p2 $0x0  }
0x1d: {  	s5 =	simm.s32 @p1 $0x1;
	p0 =	seq.s32 s7, s2  }
0x1e: {  	s7 =	smul.u32 @!p0 $0xF7A, s2;
	p2 =	seq.s32 @!p0 s5, $0x0  }
0x1f: {  	s9 =	smul.u32 $0xF7A, s1;
	s8 =	simm.s32 @!p0 $0x1BF5;
	p2 =	por !p2, p0  }
0x20: {  	[sflag:s8] =	ssyncset.s32 @!p0 $0xFFFFF086;
	s6 =	sadd.s32 @!p0 s3, s7;
	s7 =	simm.s32 @!p0 $0x108  }
0x21: {  	s3 =	sadd.s32 s3, s9;
	s6 =	sadd.s32 @!p0 $0x88, s6;
	s7 =	simm.s32 @p2 $0x1082  }
0x22: {  	[simem:s7], [sflag:s8] =	dma.local @!p0 [hbm:s6], $0xF7A  }
0x23: {  	s9 =	sor.u32 $0xD0000000, s2;
	s6 =	simm.s32 $0x108;
	_ =	swait.ge @!p0 [sflag:s8], $0x0  }
0x24: {  	s3 =	sadd.s32 $0x88, s3;
	s6 =	simm.s32 @!p1 $0x1082;
	[sflag:s4] =	ssyncset.s32 $0xFFFFF086  }
0x25: {  	[simem:s6], [sflag:s4] =	dma.local [hbm:s3], $0xF7A  }
0x26: {  	[smem:$0x3F9C] =	sst s1;
	(tag) =	ssettag s2;
	_ =	strace s9  }
0x27: {  	s1 =	sld [smem:$0x3FAC]  }
0x28: {  	s2 =	sld [smem:$0x3FAD]  }
0x29: {  	s4 =	sld [smem:$0x3FAF]  }
0x2a: {  	p0 =	seq.s32 s5, $0x0;
	s5 =	sld [smem:$0x3FB0]  }
0x2b: {  	s6 =	sld [smem:$0x3FB1]  }
0x2c: {  	s7 =	sld [smem:$0x3FB2]  }
0x2d: {  	s3 =	simm.s32 $0x108;
	s8 =	sld [smem:$0x3FB3]  }
0x2e: {  	s3 =	simm.s32 @!p0 $0x1082;
	s9 =	sld [smem:$0x3FB4]  }
0x2f: {  	lr =	sadd.s32 s0, s3;
	s0 =	sld [smem:$0x3FAB]  }
0x30: {  	s3 =	sld [smem:$0x3FAE]  }
0x31: {  	[smem:$0x3FB7] =	sst s10  }
0x32: {  	s10 =	sld [smem:$0x3FB5];
	_ =	sdelay $0x3  }
0x33: {  	p0 =	seq.s32 s10, $0x1;
	s10 =	sld [smem:$0x3FB7];
	_ =	sdelay $0x3  }
0x34: {  	[smem:$0x3FB7] =	sst s10  }
0x35: {  	s10 =	sld [smem:$0x3FB6];
	_ =	sdelay $0x3  }
0x36: {  	p1 =	seq.s32 s10, $0x1;
	s10 =	sld [smem:$0x3FB7];
	_ =	sdelay $0x3  }
0x37: {  	[smem:$0x3FB7] =	sst s10  }
0x38: {  	s10 =	sld [smem:$0x3FB8]  }
0x39: {  	_ = 	snop;
	(pc) =	sbr.ind lr, $3  }
0x3a: {  	_ = 	snop  }
0x3b: {  	_ = 	snop  }
0x3c: {  	p2 =	seq.s32 s10, $0x1;
	s10 =	sld [smem:$0x3FB7]  }
0x3d: {  	_ =	shalt  }
0x3e: {  	_ =	shalt  }
0x3f: {  	_ =	shalt  }
0x40: {  	_ =	shalt  }
0x41: {  	_ =	shalt  }
0x42: {  	_ =	shalt  }
0x43: {  	_ =	shalt  }
0x44: {  	_ =	shalt  }
0x45: {  	_ =	shalt  }
0x46: {  	_ =	shalt  }
0x47: {  	_ =	shalt  }
0x48: {  	_ =	shalt  }
0x49: {  	_ =	shalt  }
0x4a: {  	_ =	shalt  }
0x4b: {  	_ =	shalt  }
0x4c: {  	_ =	shalt  }
0x4d: {  	_ =	shalt  }
0x4e: {  	_ =	shalt  }
0x4f: {  	_ =	shalt  }
0x50: {  	_ =	shalt  }
0x51: {  	_ =	shalt  }
0x52: {  	_ =	shalt  }
0x53: {  	_ =	shalt  }
0x54: {  	_ =	shalt  }
0x55: {  	_ =	shalt  }
0x56: {  	_ =	shalt  }
0x57: {  	_ =	shalt  }
0x58: {  	_ =	shalt  }
0x59: {  	_ =	shalt  }
0x5a: {  	_ =	shalt  }
0x5b: {  	_ =	shalt  }
0x5c: {  	_ =	shalt  }
0x5d: {  	_ =	shalt  }
0x5e: {  	_ =	shalt  }
0x5f: {  	_ =	shalt  }
0x60: {  	_ =	shalt  }
0x61: {  	_ =	shalt  }
0x62: {  	_ =	shalt  }
0x63: {  	_ =	shalt  }
0x64: {  	_ =	shalt  }
0x65: {  	_ =	shalt  }
0x66: {  	_ =	shalt  }
0x67: {  	_ =	shalt  }
0x68: {  	_ =	shalt  }
0x69: {  	_ =	shalt  }
0x6a: {  	_ =	shalt  }
0x6b: {  	_ =	shalt  }
0x6c: {  	_ =	shalt  }
0x6d: {  	_ =	shalt  }
0x6e: {  	_ =	shalt  }
0x6f: {  	_ =	shalt  }
0x70: {  	_ =	shalt  }
0x71: {  	_ =	shalt  }
0x72: {  	_ =	shalt  }
0x73: {  	_ =	shalt  }
0x74: {  	_ =	shalt  }
0x75: {  	_ =	shalt  }
0x76: {  	_ =	shalt  }
0x77: {  	_ =	shalt  }
0x78: {  	_ =	shalt  }
0x79: {  	_ =	shalt  }
0x7a: {  	_ =	shalt  }
0x7b: {  	_ =	shalt  }
0x7c: {  	_ =	shalt  }
0x7d: {  	_ =	shalt  }
0x7e: {  	_ =	shalt  }
0x7f: {  	_ =	shalt  }
0x80: {  	_ =	shalt  }
0x81: {  	_ =	shalt  }
0x82: {  	_ =	shalt  }
0x83: {  	_ =	shalt  }
0x84: {  	_ =	shalt  }
0x85: {  	_ =	shalt  }
0x86: {  	_ =	shalt  }
0x87: {  	_ =	shalt  }
.Lfunc_end0:
.L_simem_size_0:
called_computation.1_lowered:
.L_overlay_start_0:
0x88: {  	s2 =	sld [smem:$0x3FD9]  }
0x89: {  	s3 =	sld [smem:$0x3FFE];
	_ =	sdelay $0x1  }
0x8a: {  	s1 =	srdreg.scid  }
0x8b: {  	s0 =	sand.u32 $0x1, s1  }
0x8c: {  	s16 =	sshll.u32 s0, $0xA;
	s2 =	sadd.s32 s3, s2  }
0x8d: {  	s2 =	sadd.s32 s2, s16  }
0x8e: {  	[smem:$0x3FC3] =	sst s2  }
0x8f: {  	_ = 	snop  }
0x90: {  	(tm) =	ssettm $0x1  }
0x91: {  	s17 =	sld [smem:$0x3FFB];
	_ =	sdelay $0x3  }
0x92: {  	_ =	strace s17  }
0x93: {  	s2 =	sld [smem:$0x3FFC];
	_ =	sdelay $0x3  }
0x94: {  	_ =	strace s2  }
0x95: {  	s2 =	sld [smem:$0x3FFD];
	_ =	sdelay $0x3  }
0x96: {  	_ =	strace s2  }
0x97: {  	_ =	strace $0x8FFFFFFF  }
0x98: {  	s18 =	sld [smem:$0x3FDB];
	_ =	sdelay $0x1  }
0x99: {  	s19 =	simm.s32 $_scs_section_size  }
0x9a: {  	s4 =	simm.s32 $_size__tile_overlayer_lowered;
	s5 =	simm.s32 $_tile_overlayer_lowered  }
0x9b: {  	s22 =	simm.s32 $0x1BFF;
	s21 =	sshll.u32 s5, $0x1;
	s2 =	sadd.s32 s19, s18  }
0x9c: {  	s6 =	simm.s32 $0x0;
	s20 =	sshll.u32 s4, $0x1;
	s4 =	sadd.s32 s21, s2  }
0x9d: {  	[timem:s6], [sflag:s22] =	dma.local [hbm:s4], s20  }
0x9e: {  	_ =	swait.ge [sflag:s22], s20  }
0x9f: {  	s3 =	ssub.s32 $0x0, s20;
	[sflag:s22] =	ssyncset.done $0x0  }
0xa0: {  	[sflag:s22] =	ssyncadd.s32 s3;
	_ =	sdelay $0x1  }
0xa1: {  	s23 =	simm.s32 $0x1B8B  }
0xa2: {  	_ =	swait.ge [sflag:s23], $0x1  }
0xa3: {  	[sflag:s23] =	ssyncset.done $0x0  }
0xa4: {  	s25 =	simm.s32 $0x1B8E;
	s24 =	sld [smem:$0x3FFE];
	[sflag:s23] =	ssyncadd.s32 $0xFFFFFFFF  }
0xa5: {  	s26 =	simm.s32 $execute0_lowered;
	[smem:$0x3FD2] =	sst s25  }
0xa6: {  	s4 =	sshll.u32 s26, $0x1;
	_ =	strace $0x80000049;
	[dreg:$0x1] =	wrdreg $0xFFFFFFFF  }
0xa7: {  	s28 =	simm.s32 $_size_execute0_lowered;
	s2 =	sadd.s32 s2, s4;
	[dreg:$0x0] =	wrdreg $0x0  }
0xa8: {  	s4 =	sshll.u32 s28, $0x1;
	[dreg:$0x2] =	wrdreg s2  }
0xa9: {  	[dreg:$0x3] =	wrdreg s4  }
0xaa: {  	[dreg:$0x4] =	wrdreg $0xC0  }
0xab: {  	_ =	task [dreg:s6], $0x5FFFF  }
0xac: {  	[dreg:$0x1] =	wrdreg $0xFFFFFFFF  }
0xad: {  	[dreg:$0x0] =	wrdreg $0x60  }
0xae: {  	[dreg:$0x2] =	wrdreg s24  }
0xaf: {  	[dreg:$0x3] =	wrdreg $0xA4000  }
0xb0: {  	[dreg:$0x4] =	wrdreg $0x9  }
0xb1: {  	_ =	task.clear_ibuf [dreg:s6], $0x5FFFF;
	_ =	strace $0x90000049  }
0xb2: {  	s29 =	simm.s32 $0x9;
	_ =	strace $0x8000004B  }
0xb3: {  	_ =	swait.ge [sflag:s29], $0x1  }
0xb4: {  	[sflag:s29] =	ssyncadd.s32 $0xFFFFFFFF  }
0xb5: {  	_ =	strace $0x9000004B  }
0xb6: {  	_ =	sfence  }
0xb7: {  	s30 =	sld [smem:$0x0];
	_ =	sdelay $0x2  }
0xb8: {  	s31 =	sshll.u32 s1, $0xD;
	s1 =	sshrl.u32 s1, $0x2  }
0xb9: {  	s3 =	sand.u32 $0x4000, s31;
	s1 =	sadd.s32 s1, s30  }
0xba: {  	s0 =	sor.u32 s3, s0;
	s1 =	sshll.u32 s1, $0x11  }
0xbb: {  	s0 =	sor.u32 s1, s0  }
0xbc: {  	s0 =	sadd.s32 $0x8F2B, s0  }
0xbd: {  	[sflag:s0] =	ssyncadd.remote.s32 $0x1  }
0xbe: {  	_ =	sfence.sel $0xFFFF  }
0xbf: {  	[dreg:$0x0] =	wrdreg $0xFFFFFFFF;
	(pc) =	sbr.abs _section_cstart, $3  }
0xc0: {  	[dreg:$0x1] =	wrdreg $0xFFFFFFFF  }
0xc1: {  	_ =	task.clear_ibuf [dreg:s6], $0x2FFFF;
	_ =	strace $0x9FFFFFFF  }
0xc2: {  	(tm) =	ssettm $0x7FFFFFFF  }
0xc3: {  	_ =	shalt  }
tec
execute0_lowered:
.L_overlay_start_1:
0x0: {  	(tag) =	ssettag $0x1  }
0x1: {  	s0 =	rddreg [dreg:$0x0]  }
0x2: {  	s2 =	rddreg [dreg:$0x1]  }
0x3: {  	s11 =	stileid.u32;
	s1 =	srdreg.scid  }
0x4: {  	s3 =	simm.s32 $0x0;
	s28 =	simm.s32 $0x50;
	s5 =	smul.u32 $0x13C00, s11  }
0x5: {  	s1 =	sand.u32 $0x1, s1;
	[smem:$0x7FF] =	sst s3;
	s10 =	smul.u32 $0x4F000, s11  }
0x6: {  	s4 =	sadd.s32 $0xA28000, s0;
	s24 =	sadd.s32 $0xA1E200, s0;
	s29 =	smul.u32 $0x2710, s11  }
0x7: {  	s26 =	sadd.s32 $0xA14400, s0;
	s22 =	sshll.u32 s11, $0x6;
	s6 =	smul.u32 $0x13C000, s1  }
0x8: {  	_ =	strace $0x8000004A;
	s8 =	ssub.s32 $0x2, s1;
	s9 =	sshll.u32 s1, $0x4  }
0x9: {  	s1 =	smul.u32 $0x27100, s1;
	s7 =	sshrl.u32 s5, $0x3;
	s17 =	sshrl.u32 s8, $0x1  }
0xa: {  	s9 =	sor.u32 s11, s9;
	s19 =	sshrl.u32 s10, $0x2;
	s5 =	sadd.s32 s5, s6  }
0xb: {  	s7 =	sadd.s32 s7, s0;
	s18 =	smul.u32 $0x2710, s9;
	s20 =	sadd.s32 s19, s2  }
0xc: {  	s6 =	sor.u32 $0x1C0D, s22;
	s1 =	sadd.s32 s29, s1;
	s5 =	sshrl.u32 s5, $0x3  }
0xd: {  	[dreg:$0x9] =	wrdreg s20;
	s21 =	sadd.s32 $0xA4F200, s7;
	s9 =	sadd.s32 $0x230, s1  }
0xe: {  	[dreg:$0xb] =	wrdreg s6;
	s0 =	sadd.s32 s5, s0;
	s23 =	sshrl.u32 s18, $0x3  }
0xf: {  	s5 =	ssub.s32 s8, s17;
	[dreg:$0xa] =	wrdreg s21;
	s8 =	sadd.s32 s24, s23  }
0x10: {  	s16 =	sshrl.u32 s9, $0x3;
	s30 =	sadd.s32 s26, s23;
	[dreg:$0xc] =	wrdreg s8  }
0x11: {  	s20 =	sadd.s32 $0x190, s1;
	s9 =	sadd.s32 s16, s26;
	[dreg:$0xd] =	wrdreg s30  }
0x12: {  	s22 =	sshrl.u32 s20, $0x3;
	s0 =	sadd.s32 $0x9C5400, s0;
	[dreg:$0x3] =	wrdreg s9  }
0x13: {  	s25 =	sadd.s32 $0xA, s23;
	s29 =	sadd.s32 s22, s24;
	[dreg:$0x16] =	wrdreg s0  }
0x14: {  	s10 =	simm.s32 $0x7;
	s31 =	sadd.s32 s24, s25;
	[dreg:$0x8] =	wrdreg s29  }
0x15: {  	s11 =	sadd.s32 $0x14, s23;
	s8 =	sadd.s32 s26, s25;
	[dreg:$0xe] =	wrdreg s31  }
0x16: {  	s17 =	sadd.s32 $0x1E0, s1;
	s12 =	sadd.s32 s24, s11;
	[dreg:$0xf] =	wrdreg s8  }
0x17: {  	s14 =	sadd.s32 $0x1E, s23;
	s13 =	sadd.s32 s26, s11;
	[dreg:$0x10] =	wrdreg s12  }
0x18: {  	s18 =	sshrl.u32 s17, $0x3;
	s15 =	sadd.s32 s24, s14;
	[dreg:$0x11] =	wrdreg s13  }
0x19: {  	s7 =	sadd.s32 $0x4D8, s23;
	s19 =	sadd.s32 s18, s26;
	[dreg:$0x12] =	wrdreg s15  }
0x1a: {  	s20 =	simm.s32 $0xB;
	s23 =	sadd.s32 s24, s7;
	[dreg:$0x5] =	wrdreg s19  }
0x1b: {  	s17 =	simm.s32 $0xA;
	s21 =	sadd.s32 s18, s24;
	[dreg:$0x14] =	wrdreg s23  }
0x1c: {  	s25 =	sadd.s32 s22, s26;
	s7 =	sadd.s32 s26, s7;
	[dreg:$0x6] =	wrdreg s21  }
0x1d: {  	s30 =	smax.u32 s5, $0x1;
	s22 =	simm.s32 $0xD;
	[dreg:$0x15] =	wrdreg s7  }
0x1e: {  	s18 =	simm.s32 $0x5;
	s9 =	simm.s32 $0xC;
	[dreg:$0x7] =	wrdreg s25  }
0x1f: {  	s0 =	simm.s32 $0x0;
	s8 =	sadd.s32 s26, s14;
	[dreg:$0x17] =	wrdreg s30  }
0x20: {  	s31 =	sadd.s32 $0x140, s1;
	s25 =	simm.s32 $0x80;
	s7 =	simm.s32 $0x100  }
0x21: {  	s13 =	simm.s32 $0x2;
	s14 =	simm.s32 $0x8;
	[dreg:$0x13] =	wrdreg s8  }
0x22: {  	s19 =	simm.s32 $0x4;
	s8 =	sadd.s32 s16, s24;
	[dreg:$0x18] =	wrdreg s31  }
0x23: {  	s21 =	simm.s32 $0x6;
	s16 =	simm.s32 $0x3;
	[dreg:$0x4] =	wrdreg s8  }
.LBB2_1:
0x24: {  	[dreg:$0x19] =	wrdreg s0  }
0x25: {  	s5 =	rddreg [dreg:$0x9]  }
0x26: {  	s29 =	rddreg [dreg:$0xa];
	s23 =	sshrl.u32 s5, $0x3  }
0x27: {  	[dreg:$0x1a] =	wrdreg s23  }
0x28: {  	[spmem:s23], [sflag:s6] =	dma.local [hbm:s29], $0x2780  }
0x29: {  	_ =	swait.ge [sflag:s22], $0x2780  }
0x2a: {  	[sflag:s22] =	ssyncset.done $0x0  }
0x2b: {  	[sflag:s22] =	ssyncadd.s32 $0xFFFFD880  }
0x2c: {  	[bflag:$0x0] =	sbarrier.arrive $0xFFFF  }
0x2d: {  	s31 =	rddreg [dreg:$0xc]  }
0x2e: {  	[tilespmem:s3], [sflag:$0xD] =	stream.linear.gather [hbm4b:s31+s3], $0x50, $0x38;
	[tilespmem:$0x1E000] =	vst v63  }
0x2f: {  	_ =	swait.ge [sflag:s22], $0x50  }
0x30: {  	[sflag:s22] =	ssyncset.done $0x0  }
0x31: {  	s23 =	simm.s32 $0x200;
	s0 =	rddreg [dreg:$0xd];
	[sflag:s22] =	ssyncadd.s32 $0xFFFFFFB0  }
0x32: {  	[tilespmem:s23], [sflag:$0xD] =	stream.linear.gather [hbm4b:s0+s3], $0x50, $0x38;
	[tilespmem:$0x1E000] =	vst v63  }
0x33: {  	_ =	swait.ge [sflag:s22], $0x50  }
0x34: {  	[sflag:s22] =	ssyncset.done $0x0  }
0x35: {  	s1 =	rddreg [dreg:$0xe];
	[sflag:s22] =	ssyncadd.s32 $0xFFFFFFB0  }
0x36: {  	[tilespmem:s25], [sflag:$0xD] =	stream.linear.gather [hbm4b:s1+s3], $0x50, $0x38;
	[tilespmem:$0x1E000] =	vst v63  }
0x37: {  	_ =	swait.ge [sflag:s22], $0x50  }
0x38: {  	[sflag:s22] =	ssyncset.done $0x0  }
0x39: {  	s29 =	simm.s32 $0x280;
	s6 =	rddreg [dreg:$0xf];
	[sflag:s22] =	ssyncadd.s32 $0xFFFFFFB0  }
0x3a: {  	[tilespmem:s29], [sflag:$0xD] =	stream.linear.gather [hbm4b:s6+s3], $0x50, $0x38;
	[tilespmem:$0x1E000] =	vst v63  }
0x3b: {  	_ =	swait.ge [sflag:s22], $0x50  }
0x3c: {  	[sflag:s22] =	ssyncset.done $0x0  }
0x3d: {  	s0 =	simm.s32 $0x400;
	[sflag:s22] =	ssyncadd.s32 $0xFFFFFFB0  }
0x3e: {  	[tilespmem:s0], [sflag:$0x1] =	stream.indirect.gather [hbm4b:s4+s28], $0x80, s3, s28, $0xb8;
	[tilespmem:$0x1E000] =	vst v63  }
0x3f: {  	s8 =	rddreg [dreg:$0x10]  }
0x40: {  	[tilespmem:s7], [sflag:$0x7] =	stream.linear.gather [hbm4b:s8+s3], $0x50, $0x38;
	[tilespmem:$0x1E000] =	vst v63  }
0x41: {  	s11 =	rddreg [dreg:$0x11];
	s8 =	simm.s32 $0x300  }
0x42: {  	[tilespmem:s8], [sflag:$0x7] =	stream.linear.gather [hbm4b:s11+s3], $0x50, $0x38;
	[tilespmem:$0x1E000] =	vst v63  }
0x43: {  	s15 =	simm.s32 $0x1;
	s11 =	simm.s32 $0x2C00  }
0x44: {  	[tilespmem:s11], [sflag:$0x2] =	stream.indirect.gather [hbm4b:s4+s28], $0x80, s25, s28, $0xb8;
	[tilespmem:$0x1E000] =	vst v63  }
0x45: {  	_ =	swait.ge [sflag:s15], $0x2800  }
0x46: {  	[sflag:s15] =	ssyncset.done $0x0  }
0x47: {  	[sflag:s15] =	ssyncadd.s32 $0xFFFFD800  }
0x48: {  	[spmem:s2] =	stream.indirect.scatter.add.f32 [tilespmem:s0], [sflag:$0x9], $0x80, s23, s28, $0xb8;
	[tilespmem:$0x1E000] =	vst v63  }
0x49: {  	s1 =	simm.s32 $0x180;
	s12 =	rddreg [dreg:$0x12]  }
0x4a: {  	[tilespmem:s1], [sflag:$0x8] =	stream.linear.gather [hbm4b:s12+s3], $0x50, $0x38;
	[tilespmem:$0x1E000] =	vst v63  }
0x4b: {  	s30 =	simm.s32 $0x380;
	s22 =	rddreg [dreg:$0x13]  }
0x4c: {  	[tilespmem:s30], [sflag:$0x8] =	stream.linear.gather [hbm4b:s22+s3], $0x50, $0x38;
	[tilespmem:$0x1E000] =	vst v63  }
0x4d: {  	_ =	swait.ge [sflag:s10], $0x50  }
0x4e: {  	[sflag:s10] =	ssyncset.done $0x0  }
0x4f: {  	[sflag:s10] =	ssyncadd.s32 $0xFFFFFFB0  }
0x50: {  	_ =	swait.ge [sflag:s10], $0x50  }
0x51: {  	[sflag:s10] =	ssyncset.done $0x0  }
0x52: {  	s12 =	simm.s32 $0x5400;
	[sflag:s10] =	ssyncadd.s32 $0xFFFFFFB0  }
0x53: {  	[tilespmem:s12], [sflag:$0x3] =	stream.indirect.gather [hbm4b:s4+s28], $0x80, s7, s28, $0xb8;
	[tilespmem:$0x1E000] =	vst v63  }
0x54: {  	_ =	swait.ge [sflag:s13], $0x2800  }
0x55: {  	[sflag:s13] =	ssyncset.done $0x0  }
0x56: {  	s31 =	simm.s32 $0x9;
	[sflag:s13] =	ssyncadd.s32 $0xFFFFD800  }
0x57: {  	[spmem:s2] =	stream.indirect.scatter.add.f32 [tilespmem:s11], [sflag:$0xA], $0x80, s29, s28, $0xb8;
	[tilespmem:$0x1E000] =	vst v63  }
0x58: {  	_ =	swait.ge [sflag:s31], $0x2800  }
0x59: {  	s6 =	rddreg [dreg:$0x18]  }
0x5a: {  	[sflag:s31] =	ssyncset.done $0x0;
	s5 =	sshrl.u32 s6, $0x3  }
0x5b: {  	[sflag:s31] =	ssyncadd.s32 $0xFFFFD800;
	s31 =	sadd.s32 s24, s5  }
0x5c: {  	[tilespmem:s3], [sflag:$0x5] =	stream.linear.gather [hbm4b:s31+s3], $0x50, $0x38;
	[tilespmem:$0x1E000] =	vst v63  }
0x5d: {  	s5 =	sadd.s32 s26, s5  }
0x5e: {  	[tilespmem:s23], [sflag:$0x5] =	stream.linear.gather [hbm4b:s5+s3], $0x50, $0x38;
	[tilespmem:$0x1E000] =	vst v63  }
0x5f: {  	_ =	swait.ge [sflag:s14], $0x50  }
0x60: {  	[sflag:s14] =	ssyncset.done $0x0  }
0x61: {  	[sflag:s14] =	ssyncadd.s32 $0xFFFFFFB0  }
0x62: {  	_ =	swait.ge [sflag:s14], $0x50  }
0x63: {  	[sflag:s14] =	ssyncset.done $0x0  }
0x64: {  	s31 =	simm.s32 $0x7C00;
	[sflag:s14] =	ssyncadd.s32 $0xFFFFFFB0  }
0x65: {  	[tilespmem:s31], [sflag:$0x4] =	stream.indirect.gather [hbm4b:s4+s28], $0x80, s1, s28, $0xb8;
	[tilespmem:$0x1E000] =	vst v63  }
0x66: {  	_ =	swait.ge [sflag:s16], $0x2800  }
0x67: {  	[sflag:s16] =	ssyncset.done $0x0  }
0x68: {  	[sflag:s16] =	ssyncadd.s32 $0xFFFFD800  }
0x69: {  	[spmem:s2] =	stream.indirect.scatter.add.f32 [tilespmem:s12], [sflag:$0xB], $0x80, s8, s28, $0xb8;
	[tilespmem:$0x1E000] =	vst v63  }
0x6a: {  	_ =	swait.ge [sflag:s17], $0x2800  }
0x6b: {  	s5 =	rddreg [dreg:$0x8];
	[sflag:s17] =	ssyncset.done $0x0  }
0x6c: {  	s22 =	rddreg [dreg:$0x7];
	[sflag:s17] =	ssyncadd.s32 $0xFFFFD800;
	s5 =	sadd.s32 $0x0, s5  }
0x6d: {  	[tilespmem:s25], [sflag:$0x6] =	stream.linear.gather [hbm4b:s5+s3], $0x50, $0x38;
	[tilespmem:$0x1E000] =	vst v63  }
0x6e: {  	s22 =	sadd.s32 $0x0, s22  }
0x6f: {  	[tilespmem:s29], [sflag:$0x6] =	stream.linear.gather [hbm4b:s22+s3], $0x50, $0x38;
	[tilespmem:$0x1E000] =	vst v63  }
0x70: {  	_ =	swait.ge [sflag:s18], $0x50  }
0x71: {  	[sflag:s18] =	ssyncset.done $0x0  }
0x72: {  	[sflag:s18] =	ssyncadd.s32 $0xFFFFFFB0  }
0x73: {  	_ =	swait.ge [sflag:s18], $0x50  }
0x74: {  	[sflag:s18] =	ssyncset.done $0x0  }
0x75: {  	[sflag:s18] =	ssyncadd.s32 $0xFFFFFFB0  }
0x76: {  	[tilespmem:s0], [sflag:$0x1] =	stream.indirect.gather [hbm4b:s4+s28], $0x80, s3, s28, $0xb8;
	[tilespmem:$0x1E000] =	vst v63  }
0x77: {  	_ =	swait.ge [sflag:s19], $0x2800  }
0x78: {  	[sflag:s19] =	ssyncset.done $0x0  }
0x79: {  	[sflag:s19] =	ssyncadd.s32 $0xFFFFD800  }
0x7a: {  	[spmem:s2] =	stream.indirect.scatter.add.f32 [tilespmem:s31], [sflag:$0xC], $0x80, s30, s28, $0xb8;
	[tilespmem:$0x1E000] =	vst v63  }
0x7b: {  	_ =	swait.ge [sflag:s20], $0x2800  }
0x7c: {  	s29 =	rddreg [dreg:$0x6];
	[sflag:s20] =	ssyncset.done $0x0  }
0x7d: {  	s31 =	rddreg [dreg:$0x5];
	[sflag:s20] =	ssyncadd.s32 $0xFFFFD800;
	s5 =	sadd.s32 $0x0, s29  }
0x7e: {  	[tilespmem:s7], [sflag:$0x7] =	stream.linear.gather [hbm4b:s5+s3], $0x50, $0x38;
	[tilespmem:$0x1E000] =	vst v63  }
0x7f: {  	s22 =	sadd.s32 $0x0, s31  }
0x80: {  	[tilespmem:s8], [sflag:$0x7] =	stream.linear.gather [hbm4b:s22+s3], $0x50, $0x38;
	[tilespmem:$0x1E000] =	vst v63  }
0x81: {  	_ =	swait.ge [sflag:s21], $0x50  }
0x82: {  	[sflag:s21] =	ssyncset.done $0x0  }
0x83: {  	[sflag:s21] =	ssyncadd.s32 $0xFFFFFFB0  }
0x84: {  	_ =	swait.ge [sflag:s21], $0x50  }
0x85: {  	[sflag:s21] =	ssyncset.done $0x0  }
0x86: {  	[sflag:s21] =	ssyncadd.s32 $0xFFFFFFB0  }
0x87: {  	[tilespmem:s11], [sflag:$0x2] =	stream.indirect.gather [hbm4b:s4+s28], $0x80, s25, s28, $0xb8;
	[tilespmem:$0x1E000] =	vst v63  }
0x88: {  	_ =	swait.ge [sflag:s15], $0x2800  }
0x89: {  	[sflag:s15] =	ssyncset.done $0x0  }
0x8a: {  	[sflag:s15] =	ssyncadd.s32 $0xFFFFD800  }
0x8b: {  	[spmem:s2] =	stream.indirect.scatter.add.f32 [tilespmem:s0], [sflag:$0x9], $0x80, s23, s28, $0xb8;
	[tilespmem:$0x1E000] =	vst v63  }
0x8c: {  	_ =	swait.ge [sflag:s9], $0x2800  }
0x8d: {  	s25 =	rddreg [dreg:$0x4];
	[sflag:s9] =	ssyncset.done $0x0  }
0x8e: {  	s29 =	rddreg [dreg:$0x3];
	[sflag:s9] =	ssyncadd.s32 $0xFFFFD800;
	s5 =	sadd.s32 $0x0, s25  }
0x8f: {  	[tilespmem:s1], [sflag:$0x8] =	stream.linear.gather [hbm4b:s5+s3], $0x50, $0x38;
	[tilespmem:$0x1E000] =	vst v63  }
0x90: {  	s31 =	sadd.s32 $0x0, s29  }
0x91: {  	[tilespmem:s30], [sflag:$0x8] =	stream.linear.gather [hbm4b:s31+s3], $0x50, $0x38;
	[tilespmem:$0x1E000] =	vst v63  }
0x92: {  	_ =	swait.ge [sflag:s10], $0x50  }
0x93: {  	[sflag:s10] =	ssyncset.done $0x0  }
0x94: {  	[sflag:s10] =	ssyncadd.s32 $0xFFFFFFB0  }
0x95: {  	_ =	swait.ge [sflag:s10], $0x50  }
0x96: {  	[sflag:s10] =	ssyncset.done $0x0  }
0x97: {  	[sflag:s10] =	ssyncadd.s32 $0xFFFFFFB0  }
0x98: {  	[tilespmem:s12], [sflag:$0x3] =	stream.indirect.gather [hbm4b:s4+s28], $0x80, s7, s28, $0xb8;
	[tilespmem:$0x1E000] =	vst v63  }
0x99: {  	_ =	swait.ge [sflag:s13], $0x2800  }
0x9a: {  	s22 =	simm.s32 $0x28;
	s23 =	sadd.s32 $0x140, s6;
	[sflag:s13] =	ssyncset.done $0x0  }
0x9b: {  	s30 =	simm.s32 $0x80;
	s7 =	simm.s32 $0x100;
	[sflag:s13] =	ssyncadd.s32 $0xFFFFD800  }
.LBB2_2:
0x9c: {  	s0 =	simm.s32 $0x280;
	s15 =	simm.s32 $0x2C00;
	s1 =	simm.s32 $0x9  }
0x9d: {  	[spmem:s2] =	stream.indirect.scatter.add.f32 [tilespmem:s15], [sflag:$0xA], $0x80, s0, s28, $0xb8;
	[tilespmem:$0x1E000] =	vst v63  }
0x9e: {  	_ =	swait.ge [sflag:s1], $0x2800  }
0x9f: {  	s6 =	sshrl.u32 s23, $0x3;
	[sflag:s1] =	ssyncset.done $0x0  }
0xa0: {  	s13 =	sadd.s32 s24, s6;
	[sflag:s1] =	ssyncadd.s32 $0xFFFFD800  }
0xa1: {  	[tilespmem:s3], [sflag:$0x5] =	stream.linear.gather [hbm4b:s13+s3], $0x50, $0x38;
	[tilespmem:$0x1E000] =	vst v63  }
0xa2: {  	s29 =	simm.s32 $0x200;
	s6 =	sadd.s32 s26, s6  }
0xa3: {  	[tilespmem:s29], [sflag:$0x5] =	stream.linear.gather [hbm4b:s6+s3], $0x50, $0x38;
	[tilespmem:$0x1E000] =	vst v63  }
0xa4: {  	_ =	swait.ge [sflag:s14], $0x50  }
0xa5: {  	[sflag:s14] =	ssyncset.done $0x0  }
0xa6: {  	[sflag:s14] =	ssyncadd.s32 $0xFFFFFFB0  }
0xa7: {  	_ =	swait.ge [sflag:s14], $0x50  }
0xa8: {  	[sflag:s14] =	ssyncset.done $0x0  }
0xa9: {  	s8 =	simm.s32 $0x7C00;
	s1 =	simm.s32 $0x180;
	[sflag:s14] =	ssyncadd.s32 $0xFFFFFFB0  }
0xaa: {  	[tilespmem:s8], [sflag:$0x4] =	stream.indirect.gather [hbm4b:s4+s28], $0x80, s1, s28, $0xb8;
	[tilespmem:$0x1E000] =	vst v63  }
0xab: {  	_ =	swait.ge [sflag:s16], $0x2800  }
0xac: {  	[sflag:s16] =	ssyncset.done $0x0  }
0xad: {  	s11 =	simm.s32 $0x300;
	s13 =	simm.s32 $0x5400;
	[sflag:s16] =	ssyncadd.s32 $0xFFFFD800  }
0xae: {  	[spmem:s2] =	stream.indirect.scatter.add.f32 [tilespmem:s13], [sflag:$0xB], $0x80, s11, s28, $0xb8;
	[tilespmem:$0x1E000] =	vst v63  }
0xaf: {  	s5 =	smov.u32 s22;
	_ =	swait.ge [sflag:s17], $0x2800  }
0xb0: {  	s25 =	smov.u32 s24;
	s24 =	rddreg [dreg:$0x8];
	[sflag:s17] =	ssyncset.done $0x0  }
0xb1: {  	s12 =	rddreg [dreg:$0x7];
	[sflag:s17] =	ssyncadd.s32 $0xFFFFD800;
	s6 =	sadd.s32 s5, s24  }
0xb2: {  	[tilespmem:s30], [sflag:$0x6] =	stream.linear.gather [hbm4b:s6+s3], $0x50, $0x38;
	[tilespmem:$0x1E000] =	vst v63  }
0xb3: {  	s12 =	sadd.s32 s5, s12  }
0xb4: {  	[tilespmem:s0], [sflag:$0x6] =	stream.linear.gather [hbm4b:s12+s3], $0x50, $0x38;
	[tilespmem:$0x1E000] =	vst v63  }
0xb5: {  	_ =	swait.ge [sflag:s18], $0x50  }
0xb6: {  	[sflag:s18] =	ssyncset.done $0x0  }
0xb7: {  	[sflag:s18] =	ssyncadd.s32 $0xFFFFFFB0  }
0xb8: {  	_ =	swait.ge [sflag:s18], $0x50  }
0xb9: {  	[sflag:s18] =	ssyncset.done $0x0  }
0xba: {  	s0 =	simm.s32 $0x400;
	[sflag:s18] =	ssyncadd.s32 $0xFFFFFFB0  }
0xbb: {  	[tilespmem:s0], [sflag:$0x1] =	stream.indirect.gather [hbm4b:s4+s28], $0x80, s3, s28, $0xb8;
	[tilespmem:$0x1E000] =	vst v63  }
0xbc: {  	_ =	swait.ge [sflag:s19], $0x2800  }
0xbd: {  	[sflag:s19] =	ssyncset.done $0x0  }
0xbe: {  	s12 =	simm.s32 $0x380;
	[sflag:s19] =	ssyncadd.s32 $0xFFFFD800  }
0xbf: {  	[spmem:s2] =	stream.indirect.scatter.add.f32 [tilespmem:s8], [sflag:$0xC], $0x80, s12, s28, $0xb8;
	[tilespmem:$0x1E000] =	vst v63  }
0xc0: {  	_ =	swait.ge [sflag:s20], $0x2800  }
0xc1: {  	s24 =	rddreg [dreg:$0x6];
	[sflag:s20] =	ssyncset.done $0x0  }
0xc2: {  	s8 =	rddreg [dreg:$0x5];
	[sflag:s20] =	ssyncadd.s32 $0xFFFFD800;
	s6 =	sadd.s32 s5, s24  }
0xc3: {  	[tilespmem:s7], [sflag:$0x7] =	stream.linear.gather [hbm4b:s6+s3], $0x50, $0x38;
	[tilespmem:$0x1E000] =	vst v63  }
0xc4: {  	s24 =	sadd.s32 s5, s8  }
0xc5: {  	[tilespmem:s11], [sflag:$0x7] =	stream.linear.gather [hbm4b:s24+s3], $0x50, $0x38;
	[tilespmem:$0x1E000] =	vst v63  }
0xc6: {  	_ =	swait.ge [sflag:s21], $0x50  }
0xc7: {  	[sflag:s21] =	ssyncset.done $0x0  }
0xc8: {  	[sflag:s21] =	ssyncadd.s32 $0xFFFFFFB0  }
0xc9: {  	_ =	swait.ge [sflag:s21], $0x50  }
0xca: {  	[sflag:s21] =	ssyncset.done $0x0  }
0xcb: {  	[sflag:s21] =	ssyncadd.s32 $0xFFFFFFB0  }
0xcc: {  	[tilespmem:s15], [sflag:$0x2] =	stream.indirect.gather [hbm4b:s4+s28], $0x80, s30, s28, $0xb8;
	[tilespmem:$0x1E000] =	vst v63  }
0xcd: {  	s15 =	simm.s32 $0x1  }
0xce: {  	_ =	swait.ge [sflag:s15], $0x2800  }
0xcf: {  	[sflag:s15] =	ssyncset.done $0x0  }
0xd0: {  	[sflag:s15] =	ssyncadd.s32 $0xFFFFD800  }
0xd1: {  	[spmem:s2] =	stream.indirect.scatter.add.f32 [tilespmem:s0], [sflag:$0x9], $0x80, s29, s28, $0xb8;
	[tilespmem:$0x1E000] =	vst v63  }
0xd2: {  	_ =	swait.ge [sflag:s9], $0x2800  }
0xd3: {  	s24 =	rddreg [dreg:$0x4];
	[sflag:s9] =	ssyncset.done $0x0  }
0xd4: {  	s29 =	rddreg [dreg:$0x3];
	[sflag:s9] =	ssyncadd.s32 $0xFFFFD800;
	s6 =	sadd.s32 s5, s24  }
0xd5: {  	[tilespmem:s1], [sflag:$0x8] =	stream.linear.gather [hbm4b:s6+s3], $0x50, $0x38;
	[tilespmem:$0x1E000] =	vst v63  }
0xd6: {  	s5 =	sadd.s32 s5, s29  }
0xd7: {  	[tilespmem:s12], [sflag:$0x8] =	stream.linear.gather [hbm4b:s5+s3], $0x50, $0x38;
	[tilespmem:$0x1E000] =	vst v63  }
0xd8: {  	_ =	swait.ge [sflag:s10], $0x50  }
0xd9: {  	[sflag:s10] =	ssyncset.done $0x0  }
0xda: {  	[sflag:s10] =	ssyncadd.s32 $0xFFFFFFB0  }
0xdb: {  	_ =	swait.ge [sflag:s10], $0x50  }
0xdc: {  	[sflag:s10] =	ssyncset.done $0x0  }
0xdd: {  	p0 =	sne.s32 s22, $0x488;
	[sflag:s10] =	ssyncadd.s32 $0xFFFFFFB0  }
0xde: {  	[tilespmem:s13], [sflag:$0x3] =	stream.indirect.gather [hbm4b:s4+s28], $0x80, s7, s28, $0xb8;
	[tilespmem:$0x1E000] =	vst v63  }
.Ltmp0:
0xdf: {  	s22 =	sadd.s32 $0x28, s22;
	(pc) =	sbr.rel @p0 .LBB2_2-.Ltmp0, $4  }
0xe0: {  	s31 =	simm.s32 $0x280;
	s23 =	sadd.s32 $0x140, s23;
	s13 =	simm.s32 $0x2  }
0xe1: {  	s8 =	simm.s32 $0x300;
	s11 =	simm.s32 $0x2C00;
	_ =	swait.ge [sflag:s13], $0x2800  }
0xe2: {  	s0 =	simm.s32 $0x180;
	s24 =	smov.u32 s25;
	[sflag:s13] =	ssyncset.done $0x0  }
0xe3: {  	s1 =	simm.s32 $0x380;
	s12 =	simm.s32 $0x5400;
	[sflag:s13] =	ssyncadd.s32 $0xFFFFD800  }
0xe4: {  	[spmem:s2] =	stream.indirect.scatter.add.f32 [tilespmem:s11], [sflag:$0xA], $0x80, s31, s28, $0xb8;
	[tilespmem:$0x1E000] =	vst v63  }
0xe5: {  	s7 =	simm.s32 $0x9  }
0xe6: {  	_ =	swait.ge [sflag:s7], $0x2800  }
0xe7: {  	[sflag:s7] =	ssyncset.done $0x0  }
0xe8: {  	s5 =	rddreg [dreg:$0x14];
	[sflag:s7] =	ssyncadd.s32 $0xFFFFD800  }
0xe9: {  	[tilespmem:s3], [sflag:$0x5] =	stream.linear.gather [hbm4b:s5+s3], $0x50, $0x38;
	[tilespmem:$0x1E000] =	vst v63  }
0xea: {  	s6 =	simm.s32 $0x200;
	s11 =	rddreg [dreg:$0x15]  }
0xeb: {  	[tilespmem:s6], [sflag:$0x5] =	stream.linear.gather [hbm4b:s11+s3], $0x50, $0x38;
	[tilespmem:$0x1E000] =	vst v63  }
0xec: {  	_ =	swait.ge [sflag:s14], $0x50  }
0xed: {  	[sflag:s14] =	ssyncset.done $0x0  }
0xee: {  	[sflag:s14] =	ssyncadd.s32 $0xFFFFFFB0  }
0xef: {  	_ =	swait.ge [sflag:s14], $0x50  }
0xf0: {  	[sflag:s14] =	ssyncset.done $0x0  }
0xf1: {  	s15 =	simm.s32 $0x7C00;
	[sflag:s14] =	ssyncadd.s32 $0xFFFFFFB0  }
0xf2: {  	[tilespmem:s15], [sflag:$0x4] =	stream.indirect.gather [hbm4b:s4+s28], $0x80, s0, s28, $0xb8;
	[tilespmem:$0x1E000] =	vst v63  }
0xf3: {  	_ =	swait.ge [sflag:s16], $0x2800  }
0xf4: {  	[sflag:s16] =	ssyncset.done $0x0  }
0xf5: {  	[sflag:s16] =	ssyncadd.s32 $0xFFFFD800  }
0xf6: {  	[spmem:s2] =	stream.indirect.scatter.add.f32 [tilespmem:s12], [sflag:$0xB], $0x80, s8, s28, $0xb8;
	[tilespmem:$0x1E000] =	vst v63  }
0xf7: {  	_ =	swait.ge [sflag:s18], $0x50  }
0xf8: {  	[sflag:s18] =	ssyncset.done $0x0  }
0xf9: {  	[sflag:s18] =	ssyncadd.s32 $0xFFFFFFB0  }
0xfa: {  	_ =	swait.ge [sflag:s18], $0x50  }
0xfb: {  	[sflag:s18] =	ssyncset.done $0x0  }
0xfc: {  	s22 =	simm.s32 $0x400;
	[sflag:s18] =	ssyncadd.s32 $0xFFFFFFB0  }
0xfd: {  	[tilespmem:s22], [sflag:$0x1] =	stream.indirect.gather [hbm4b:s4+s28], $0x80, s3, s28, $0xb8;
	[tilespmem:$0x1E000] =	vst v63  }
0xfe: {  	_ =	swait.ge [sflag:s19], $0x2800  }
0xff: {  	[sflag:s19] =	ssyncset.done $0x0  }
0x100: {  	s23 =	simm.s32 $0x1;
	[sflag:s19] =	ssyncadd.s32 $0xFFFFD800  }
0x101: {  	[spmem:s2] =	stream.indirect.scatter.add.f32 [tilespmem:s15], [sflag:$0xC], $0x80, s1, s28, $0xb8;
	[tilespmem:$0x1E000] =	vst v63  }
0x102: {  	_ =	swait.ge [sflag:s23], $0x2800  }
0x103: {  	[sflag:s23] =	ssyncset.done $0x0  }
0x104: {  	[sflag:s23] =	ssyncadd.s32 $0xFFFFD800  }
0x105: {  	[spmem:s2] =	stream.indirect.scatter.add.f32 [tilespmem:s22], [sflag:$0x9], $0x80, s6, s28, $0xb8;
	[tilespmem:$0x1E000] =	vst v63  }
0x106: {  	_ =	swait.ge [sflag:s17], $0x2800  }
0x107: {  	[sflag:s17] =	ssyncset.done $0x0  }
0x108: {  	[sflag:s17] =	ssyncadd.s32 $0xFFFFD800  }
0x109: {  	_ =	swait.ge [sflag:s20], $0x2800  }
0x10a: {  	[sflag:s20] =	ssyncset.done $0x0  }
0x10b: {  	[sflag:s20] =	ssyncadd.s32 $0xFFFFD800  }
0x10c: {  	_ =	swait.ge [sflag:s9], $0x2800  }
0x10d: {  	[sflag:s9] =	ssyncset.done $0x0  }
0x10e: {  	[sflag:s9] =	ssyncadd.s32 $0xFFFFD800  }
0x10f: {  	_ =	swait.ge [sflag:s7], $0x2800  }
0x110: {  	[sflag:s7] =	ssyncset.done $0x0  }
0x111: {  	[sflag:s7] =	ssyncadd.s32 $0xFFFFD800  }
0x112: {  	[bflag:$0x0] =	sbarrier.arrive $0xFFFF  }
0x113: {  	s6 =	rddreg [dreg:$0xb]  }
0x114: {  	s25 =	rddreg [dreg:$0x16]  }
0x115: {  	s22 =	simm.s32 $0xD;
	s29 =	rddreg [dreg:$0x1a]  }
0x116: {  	[hbm:s25], [sflag:s6] =	dma.local [spmem:s29], $0x2780  }
0x117: {  	_ =	swait.ge [sflag:s22], $0x2780  }
0x118: {  	s30 =	rddreg [dreg:$0x19]  }
0x119: {  	s31 =	rddreg [dreg:$0x17];
	s0 =	sadd.s32 $0x1, s30  }
0x11a: {  	p0 =	sne.s32 s0, s31  }
.Ltmp1:
0x11b: {  	_ = 	snop;
	(pc) =	sbr.rel @p0 .LBB2_1-.Ltmp1, $3  }
0x11c: {  	_ =	sdelay $0x1  }
0x11d: {  	[sflag:s22] =	ssyncset.done $0x0  }
0x11e: {  	s7 =	simm.s32 $0x100;
	s25 =	simm.s32 $0x80;
	[sflag:s22] =	ssyncadd.s32 $0xFFFFD880  }
0x11f: {  	_ =	sfence.sel $0x180000  }
0x120: {  	[bflag:$0x0] =	sbarrier.arrive $0xFFFF  }
0x121: {  	_ =	strace $0x9000004A  }
0x122: {  	s0 =	stileid.u32;
	[bflag:$0x2] =	sbarrier.arrive $0xFFFF  }
0x123: {  	p0 =	sne.s32 s0, $0x0;
	s0 =	rddreg [dreg:$0x2]  }
0x124: {  	s0 =	sadd.s32 @!p0 $0x100000, s0  }
0x125: {  	[sflag:s0] =	ssyncadd.tile.s32 @!p0 $0x1;
	_ =	shalt  }
.Lfunc_end2:
_tile_overlayer_lowered:
.L_overlay_start_2:
0x126: {  	(tag) =	ssettag $0x2  }
0x127: {  	s0 =	rddreg [dreg:$0x0];
	s2 =	stileid.u32  }
0x128: {  	s1 =	rddreg [dreg:$0x1];
	p0 =	sne.s32 s2, $0x0  }
0x129: {  	s3 =	rddreg [dreg:$0x2];
	[bflag:$0x3] =	sbarrier.arrive $0xFFFF;
	s2 =	simm.s32 @!p0 $0x1C0D  }
0x12a: {  	[timem:s3], [sflag:s2] =	dma.local @!p0 [hbm:s0], s1  }
0x12b: {  	s0 =	simm.s32 @!p0 $0xD  }
0x12c: {  	_ =	swait.ge @!p0 [sflag:s0], s1  }
0x12d: {  	s1 =	ssub.s32 @!p0 $0x0, s1;
	[sflag:s0] =	ssyncset.done @!p0 $0x0  }
0x12e: {  	[sflag:s0] =	ssyncadd.s32 @!p0 s1  }
0x12f: {  	[bflag:$0x3] =	sbarrier.arrive $0xFFFF  }
0x130: {  	_ =	shalt  }

// kernel: sparse-core-data-format-call.cloned.1.call-start
scs
called_computation_lowered:
.L_overlay_start_0:
0x0: {  	s2 =	sld [smem:$0x3FD9]  }
0x1: {  	s3 =	sld [smem:$0x3FFE];
	_ =	sdelay $0x1  }
0x2: {  	s1 =	srdreg.scid  }
0x3: {  	s0 =	sand.u32 $0x1, s1  }
0x4: {  	s18 =	sshll.u32 s0, $0xA;
	s2 =	sadd.s32 s3, s2  }
0x5: {  	s2 =	sadd.s32 s2, s18  }
0x6: {  	[smem:$0x3FC3] =	sst s2  }
0x7: {  	_ = 	snop  }
0x8: {  	s2 =	sld [smem:$0x3FC8];
	(tm) =	ssettm $0x1  }
0x9: {  	s19 =	sld [smem:$0x3FFB];
	_ =	sdelay $0x3  }
0xa: {  	_ =	strace s19  }
0xb: {  	s3 =	sld [smem:$0x3FFC];
	_ =	sdelay $0x3  }
0xc: {  	_ =	strace s3  }
0xd: {  	s3 =	sld [smem:$0x3FFD];
	_ =	sdelay $0x3  }
0xe: {  	_ =	strace s3  }
0xf: {  	_ =	strace $0x8FFFFFFF  }
0x10: {  	s20 =	sld [smem:$0x3FDB];
	_ =	sdelay $0x1  }
0x11: {  	s4 =	simm.s32 $_scs_section_size  }
0x12: {  	s5 =	simm.s32 $_size__tile_overlayer_lowered;
	s6 =	simm.s32 $_tile_overlayer_lowered  }
0x13: {  	s23 =	simm.s32 $0x1BFF;
	s22 =	sshll.u32 s6, $0x1;
	s3 =	sadd.s32 s4, s20  }
0x14: {  	s7 =	simm.s32 $0x0;
	s21 =	sshll.u32 s5, $0x1;
	s5 =	sadd.s32 s22, s3  }
0x15: {  	[timem:s7], [sflag:s23] =	dma.local [hbm:s5], s21  }
0x16: {  	_ =	swait.ge [sflag:s23], s21  }
0x17: {  	s4 =	ssub.s32 $0x0, s21;
	[sflag:s23] =	ssyncset.done $0x0  }
0x18: {  	[sflag:s23] =	ssyncadd.s32 s4;
	_ =	sdelay $0x1  }
0x19: {  	s24 =	simm.s32 $0x1B8B  }
0x1a: {  	_ =	swait.ge [sflag:s24], $0x1  }
0x1b: {  	[sflag:s24] =	ssyncset.done $0x0  }
0x1c: {  	s26 =	simm.s32 $0x1B8E;
	s25 =	sld [smem:$0x3FFE];
	[sflag:s24] =	ssyncadd.s32 $0xFFFFFFFF  }
0x1d: {  	s27 =	simm.s32 $execute0_lowered;
	[smem:$0x3FD2] =	sst s26  }
0x1e: {  	s5 =	sshll.u32 s27, $0x1;
	_ =	strace $0x80000046;
	[dreg:$0x1] =	wrdreg $0xFFFFFFFF  }
0x1f: {  	s28 =	simm.s32 $_size_execute0_lowered;
	s3 =	sadd.s32 s3, s5;
	[dreg:$0x0] =	wrdreg $0x0  }
0x20: {  	s5 =	sshll.u32 s28, $0x1;
	[dreg:$0x2] =	wrdreg s3  }
0x21: {  	[dreg:$0x3] =	wrdreg s5  }
0x22: {  	[dreg:$0x4] =	wrdreg $0xC0  }
0x23: {  	_ =	task [dreg:s7], $0x5FFFF  }
0x24: {  	[dreg:$0x1] =	wrdreg $0xFFFFFFFF  }
0x25: {  	[dreg:$0x0] =	wrdreg $0x60  }
0x26: {  	[dreg:$0x2] =	wrdreg s2  }
0x27: {  	[dreg:$0x3] =	wrdreg s25  }
0x28: {  	[dreg:$0x4] =	wrdreg $0x9  }
0x29: {  	_ =	task.clear_ibuf [dreg:s7], $0x5FFFF;
	_ =	strace $0x90000046  }
0x2a: {  	s29 =	simm.s32 $0x9;
	_ =	strace $0x80000048  }
0x2b: {  	_ =	swait.ge [sflag:s29], $0x1  }
0x2c: {  	[sflag:s29] =	ssyncadd.s32 $0xFFFFFFFF  }
0x2d: {  	_ =	strace $0x90000048  }
0x2e: {  	_ =	sfence  }
0x2f: {  	s30 =	sld [smem:$0x0];
	_ =	sdelay $0x2  }
0x30: {  	s31 =	sshll.u32 s1, $0xD;
	s1 =	sshrl.u32 s1, $0x2  }
0x31: {  	s3 =	sand.u32 $0x4000, s31;
	s1 =	sadd.s32 s1, s30  }
0x32: {  	s0 =	sor.u32 s3, s0;
	s1 =	sshll.u32 s1, $0x11  }
0x33: {  	s0 =	sor.u32 s1, s0  }
0x34: {  	s0 =	sadd.s32 $0x8F2B, s0  }
0x35: {  	[sflag:s0] =	ssyncadd.remote.s32 $0x1  }
0x36: {  	_ =	sfence.sel $0xFFFF  }
0x37: {  	[dreg:$0x0] =	wrdreg $0xFFFFFFFF;
	(pc) =	sbr.abs _section_cstart, $3  }
0x38: {  	[dreg:$0x1] =	wrdreg $0xFFFFFFFF  }
0x39: {  	_ =	task.clear_ibuf [dreg:s7], $0x2FFFF;
	_ =	strace $0x9FFFFFFF  }
0x3a: {  	(tm) =	ssettm $0x7FFFFFFF  }
0x3b: {  	_ =	shalt  }
tec
execute0_lowered:
.L_overlay_start_1:
0x0: {  	(tag) =	ssettag $0x1  }
0x1: {  	s2 =	rddreg [dreg:$0x0]  }
0x2: {  	s1 =	rddreg [dreg:$0x1]  }
0x3: {  	s0 =	rddreg [dreg:$0x2]  }
0x4: {  	s4 =	srdreg.scid;
	_ =	strace $0x80000047;
	s6 =	simm.s32 $0x2  }
0x5: {  	s15 =	simm.s32 $0x0;
	p0 =	por $0x0, $0x0;
	s14 =	simm.s32 $0x0  }
0x6: {  	s16 =	simm.s32 $0x0;
	s7 =	simm.s32 $0x0;
	s9 =	simm.s32 $0x0  }
.Ltmp0:
0x7: {  	s10 =	simm.s32 $0x0;
	s11 =	simm.s32 $0x0;
	(pc) =	sbr.rel .LBB1_1-.Ltmp0, $4  }
0x8: {  	s12 =	simm.s32 $0x0;
	s3 =	sadd.s32 $0x1400, s1;
	s4 =	sshll.u32 s4, $0x4  }
0x9: {  	s1 =	stileid.u32;
	s5 =	sand.u32 $0x10, s4;
	s4 =	simm.s32 $0x1  }
0xa: {  	s8 =	simm.s32 $0x0;
	s5 =	sor.u32 s1, s5;
	[sflag:s4] =	ssyncpa.u1 $0x0  }
0xb: {  	[sflag:s6] =	ssyncpa.u1 $0x0;
	s6 =	simm.s32 $0x2000;
	s13 =	smov.u32 s5  }
.LBB1_5:
0xc: {  	p1 =	slt.u32 s8, $0x2;
	s18 =	smov.u32 s16  }
0xd: {  	p2 =	sgt.s32 @!p1 s15, $0x2690;
	s17 =	sshra.s32 @!p1 s15, $0x1F;
	p3 =	sgt.s32 @!p1 s16, $0x3F  }
0xe: {  	s19 =	sshra.s32 @!p1 s16, $0x1F;
	p2 =	por !p2, p1;
	s17 =	sand.u32 @!p1 s17, s15  }
0xf: {  	p3 =	por !p3, p1;
	s16 =	sand.u32 @!p1 s19, s16;
	s19 =	sshra.s32 @!p1 s14, $0x1F  }
0x10: {  	s18 =	simm.s32 @p3 $0x3F;
	p3 =	sgt.s32 @!p1 s14, $0x40;
	s15 =	simm.s32 @p2 $0x2690  }
0x11: {  	s16 =	ssub.s32 @!p1 s18, s16;
	p3 =	por !p3, p1;
	s18 =	smov.u32 s14  }
0x12: {  	s14 =	sand.u32 @!p1 s19, s14;
	s15 =	ssub.s32 @!p1 s15, s17;
	s18 =	simm.s32 @p3 $0x40  }
0x13: {  	s17 =	sadd.s32 @!p1 $0xFFFFFFC1, s16;
	s16 =	ssub.s32 @!p1 $0x40, s16;
	s14 =	ssub.s32 @!p1 s18, s14  }
0x14: {  	s18 =	sadd.s32 @!p1 $0xFFFFD970, s15;
	p2 =	sgt.s32 @!p1 s17, $0x0;
	s17 =	sadd.s32 @!p1 $0xFFFFFFC0, s14  }
0x15: {  	s15 =	ssub.s32 @!p1 $0x2710, s15;
	p2 =	por !p2, p1;
	p3 =	sgt.s32 @!p1 s17, $0x3F  }
0x16: {  	s14 =	ssub.s32 @!p1 $0x80, s14;
	s16 =	simm.s32 @!p2 $0x0;
	p2 =	por !p3, p1  }
0x17: {  	s17 =	sadd.s32 $0x80, s11;
	p3 =	sgt.s32 @!p1 s18, $0x7F;
	s14 =	simm.s32 @!p2 $0x0  }
0x18: {  	s18 =	smov.u32 s12;
	p2 =	por !p3, p1;
	s14 =	smul.u32 @!p1 s16, s14  }
0x19: {  	s15 =	simm.s32 @!p2 $0x0;
	p2 =	sgt.s32 s17, $0x270F;
	s16 =	sadd.s32 $0x40, s12  }
0x1a: {  	s19 =	smov.u32 s13;
	s18 =	smov.u32 @p2 s16  }
0x1b: {  	s14 =	smul.u32 @!p1 s15, s14;
	p3 =	sgt.s32 s18, $0x3F;
	s15 =	sadd.s32 $0x20, s13  }
0x1c: {  	s8 =	sadd.s32 $0x1, s8;
	p0 =	por !p0, !p0;
	s19 =	smov.u32 @p3 s15  }
0x1d: {  	s20 =	simm.s32 @!p1 $0x2;
	s17 =	simm.s32 @p2 $0x0;
	p2 =	sgt.s32 s19, $0x3F  }
0x1e: {  	s16 =	smov.u32 s10;
	s19 =	smov.u32 @p2 s5;
	p2 =	sne.s32 s8, $0xA0  }
.Ltmp1:
0x1f: {  	s10 =	smov.u32 s13;
	s18 =	simm.s32 @p3 $0x0;
	(pc) =	sbr.rel @!p2 .LBB1_6-.Ltmp1, $4  }
0x20: {  	s15 =	smov.u32 s7;
	s7 =	smov.u32 s11;
	s14 =	sand.u32 @!p1 $0x3FFFFFFF, s14  }
0x21: {  	s11 =	smov.u32 s17;
	_ =	swait.ge @!p1 [sflag:s20], s14;
	s21 =	ssub.s32 @!p1 $0x0, s14  }
0x22: {  	s14 =	smov.u32 s9;
	s9 =	smov.u32 s12;
	[sflag:s20] =	ssyncset.done @!p1 $0x0  }
0x23: {  	s12 =	smov.u32 s18;
	s13 =	smov.u32 s19;
	[sflag:s20] =	ssyncadd.s32 @!p1 s21  }
.LBB1_1:
0x24: {  	p1 =	sgt.u32 s8, $0x9D  }
0x25: {  	s17 =	sshrl.u32 @!p1 s12, $0x3  }
0x26: {  	s18 =	sshll.u32 @!p1 s11, $0x3;
	s17 =	smul.u32 @!p1 $0x13C00, s17  }
0x27: {  	s19 =	sshll.u32 @!p1 s12, $0x7;
	s18 =	sand.u32 @!p1 $0xFFFFFC00, s18  }
0x28: {  	s17 =	sadd.s32 @!p1 s17, s18;
	s18 =	sand.u32 @!p1 $0x380, s19  }
0x29: {  	s19 =	sand.u32 @!p1 $0x7F, s11;
	s17 =	sor.u32 @!p1 s18, s17  }
0x2a: {  	s18 =	sor.u32 @!p1 s19, s17  }
0x2b: {  	s19 =	smulhi.u32 @!p1 $0xCF6474A9, s18  }
0x2c: {  	s17 =	smulhi.u32 @!p1 $0xCF6474A9, s17  }
0x2d: {  	s19 =	sshrl.u32 @!p1 s19, $0xD  }
0x2e: {  	s17 =	sshrl.u32 @!p1 s17, $0xD;
	s19 =	smul.u32 @!p1 $0x2780, s19  }
0x2f: {  	s20 =	sxor.u32 @!p1 $0xFFFFFFFF, s8;
	s21 =	smul.u32 @!p1 $0x13C00, s13;
	s17 =	sand.u32 @!p1 $0x3F, s17  }
0x30: {  	s20 =	sshll.u32 @!p1 s20, $0xD;
	s17 =	smul.u32 @!p1 $0x4F0, s17;
	s18 =	ssub.s32 @!p1 s18, s19  }
0x31: {  	s19 =	sand.u32 @!p1 $0x2000, s20;
	s20 =	sadd.s32 @!p1 s2, s21;
	s21 =	sand.u32 @!p1 $0x7, s18  }
0x32: {  	s18 =	sshrl.u32 @!p1 s18, $0x3;
	s17 =	sadd.s32 @!p1 s17, s20;
	s20 =	sshll.u32 @!p1 s21, $0x12  }
0x33: {  	s17 =	sadd.s32 @!p1 s18, s17;
	s18 =	sor.u32 @!p1 $0x400, s20;
	s20 =	simm.s32 @!p1 $0x13C00  }
0x34: {  	[tilespmem:s19], [sflag:$0x1] =	stream.strided.gather @!p1 [hbm4b:s17+s18], $0x2000, s20, s18, $0x38;
	[tilespmem:$0x8100] =	vst v63  }
0x35: {  	p1 =	seq.s32 s8, $0x0  }
0x36: {  	p2 =	seq.s32 @!p1 s8, $0x9F  }
0x37: {  	p1 =	por p1, p2  }
.Ltmp2:
0x38: {  	_ = 	snop;
	(pc) =	sbr.rel @p1 .LBB1_5-.Ltmp2, $1  }
0x39: {  	_ =	sdelay $0x3  }
0x3a: {  	s17 =	simm.s32 $0x1  }
0x3b: {  	_ =	swait.ge [sflag:s4], $0x2000;
	s17 =	simm.s32 @!p0 $0x0  }
0x3c: {  	[sflag:s4] =	ssyncset.done $0x0;
	s18 =	sshll.u32 s17, $0xD  }
0x3d: {  	[sflag:s4] =	ssyncadd.s32 $0xFFFFE000;
	s18 =	sor.u32 $0x40, s18  }
0x3e: {  	s17 =	smul.u32 $0x8200, s17;
	v0 =	vld [tilespmem:s18+$0x30]  }
0x3f: {  	v1 =	vld [tilespmem:s18+$0xFFFFFFD0]  }
0x40: {  	s17 =	sshrl.u32 s17, $0x2;
	v5 =	vld [tilespmem:s18+$0xFFFFFFE0]  }
0x41: {  	v6 =	vld [tilespmem:s18+$0xFFFFFFF0];
	s20 =	sor.u32 $0x4000, s17  }
0x42: {  	s31 =	sand.u32 $0x1, s8;
	v4 =	vld [tilespmem:s18+$0x0];
	s19 =	sadd.s32 $0x0, s20  }
0x43: {  	v3 =	vld [tilespmem:s18+$0x10];
	s17 =	smul.u32 $0x8200, s31;
	[tilespmem:s19+$0x1C70 ss:$0x41] =	vst.msk $0xffff, v0  }
0x44: {  	v2 =	vld [tilespmem:s18+$0x20];
	[tilespmem:s19+$0x410 ss:$0x41] =	vst.msk $0xffff, v1  }
0x45: {  	s17 =	sshrl.u32 s17, $0x2;
	v1 =	vld [tilespmem:s18+$0xFFFFFFC0];
	[tilespmem:s19+$0x820 ss:$0x41] =	vst.msk $0xffff, v5;
	s18 =	sadd.s32 $0x80, s18  }
0x46: {  	s21 =	simm.s32 $0x4;
	s22 =	simm.s32 $0x8;
	s17 =	sor.u32 $0x4000, s17;
	[tilespmem:s19+$0xC30 ss:$0x41] =	vst.msk $0xffff, v6;
	v0 =	vld [tilespmem:s18+$0x30]  }
.LBB1_3:
0x47: {  	p1 =	sne.s32 s22, $0xFC;
	v5 =	vld [tilespmem:s18+$0xFFFFFFD0];
	[tilespmem:s19+$0x1040 ss:$0x41] =	vst.msk $0xffff, v4  }
0x48: {  	v6 =	vld [tilespmem:s18+$0xFFFFFFE0];
	[tilespmem:s19+$0x1450 ss:$0x41] =	vst.msk $0xffff, v3  }
0x49: {  	s23 =	sshra.s32 s21, $0x2;
	s21 =	smov.u32 s22;
	v7 =	vld [tilespmem:s18+$0xFFFFFFF0];
	[tilespmem:s19+$0x1860 ss:$0x41] =	vst.msk $0xffff, v2  }
.Ltmp3:
0x4a: {  	v4 =	vld [tilespmem:s18+$0x0];
	[tilespmem:s19+$0x0 ss:$0x41] =	vst.msk $0xffff, v1;
	s19 =	sadd.s32 s23, s20;
	(pc) =	sbr.rel @p1 .LBB1_3-.Ltmp3, $4  }
0x4b: {  	v3 =	vld [tilespmem:s18+$0x10];
	[tilespmem:s19+$0x1C70 ss:$0x41] =	vst.msk $0xffff, v0  }
0x4c: {  	[tilespmem:s19+$0x410 ss:$0x41] =	vst.msk $0xffff, v5;
	v2 =	vld [tilespmem:s18+$0x20]  }
0x4d: {  	v1 =	vld [tilespmem:s18+$0xFFFFFFC0];
	[tilespmem:s19+$0x820 ss:$0x41] =	vst.msk $0xffff, v6;
	s18 =	sadd.s32 $0x80, s18  }
0x4e: {  	s22 =	sadd.s32 $0x4, s22;
	v0 =	vld [tilespmem:s18+$0x30];
	[tilespmem:s19+$0xC30 ss:$0x41] =	vst.msk $0xffff, v7  }
0x4f: {  	s21 =	sshra.s32 s21, $0x2;
	s22 =	sshll.u32 s10, $0x7;
	s23 =	sshll.u32 s9, $0x3  }
0x50: {  	p2 =	sgt.s32 s10, $0x3F;
	s24 =	sshra.s32 s10, $0x1F;
	p1 =	sgt.s32 s7, $0x2690  }
0x51: {  	s25 =	sshra.s32 s9, $0x1F;
	s26 =	smov.u32 s7;
	s27 =	sshra.s32 s7, $0x1F  }
0x52: {  	s20 =	sadd.s32 s21, s20;
	s28 =	sand.u32 $0x1C00, s22;
	s23 =	sand.u32 $0x1C00, s23  }
0x53: {  	s24 =	sand.u32 s24, s10;
	s25 =	sand.u32 s25, s9;
	s26 =	simm.s32 @!p1 $0x2690  }
0x54: {  	s27 =	sand.u32 s27, s7;
	s21 =	sadd.s32 s28, s23;
	s23 =	smov.u32 s10  }
0x55: {  	v5 =	vld [tilespmem:s18+$0xFFFFFFD0];
	[tilespmem:s19+$0x1040 ss:$0x41] =	vst.msk $0xffff, v4;
	s22 =	sand.u32 $0x380, s22;
	s29 =	ssub.s32 s26, s27;
	s23 =	simm.s32 @!p2 $0x3F  }
0x56: {  	v58 =	vld [tilespmem:s18+$0xFFFFFFE0];
	[tilespmem:s19+$0x1450 ss:$0x41] =	vst.msk $0xffff, v3;
	p2 =	sgt.s32 s9, $0x40;
	s23 =	ssub.s32 s23, s24;
	s24 =	smov.u32 s9  }
0x57: {  	v59 =	vld [tilespmem:s18+$0xFFFFFFF0];
	[tilespmem:s19+$0x1860 ss:$0x41] =	vst.msk $0xffff, v2;
	s27 =	sshll.u32 s7, $0xA;
	s28 =	sshrl.u32 s9, $0x3;
	s24 =	simm.s32 @!p2 $0x40  }
0x58: {  	v60 =	vld [tilespmem:s18+$0x0];
	[tilespmem:s19+$0x0 ss:$0x41] =	vst.msk $0xffff, v1;
	s21 =	sor.u32 s22, s21;
	s26 =	sadd.s32 $0xFFFFD970, s29;
	s24 =	ssub.s32 s24, s25  }
0x59: {  	v61 =	vld [tilespmem:s18+$0x10];
	[tilespmem:s20+$0x1C70 ss:$0x41] =	vst.msk $0xffff, v0;
	s30 =	sadd.s32 $0xFFFFFFC1, s23;
	s19 =	ssub.s32 $0x40, s23;
	s31 =	sadd.s32 $0xFFFFFFC0, s24  }
0x5a: {  	v62 =	vld [tilespmem:s18+$0x20];
	[tilespmem:s20+$0x410 ss:$0x41] =	vst.msk $0xffff, v5;
	p1 =	sgt.s32 s30, $0x0;
	s23 =	ssub.s32 $0x80, s24;
	p2 =	sgt.s32 s31, $0x3F  }
0x5b: {  	v63 =	vld [tilespmem:s18+$0xFFFFFFC0];
	s18 =	ssub.s32 $0x2710, s29;
	[tilespmem:s20+$0x820 ss:$0x41] =	vst.msk $0xffff, v58;
	s19 =	simm.s32 @p1 $0x0;
	s23 =	simm.s32 @p2 $0x0  }
0x5c: {  	s22 =	sand.u32 $0xF, s28;
	[tilespmem:s20+$0xC30 ss:$0x41] =	vst.msk $0xffff, v59;
	p1 =	sgt.s32 s26, $0x7F;
	s19 =	smul.u32 s19, s23  }
.Ltmp4:
0x5d: {  	s29 =	sand.u32 $0x7, s9;
	[tilespmem:s20+$0x1040 ss:$0x41] =	vst.msk $0xffff, v60;
	s18 =	simm.s32 @p1 $0x0;
	(pc) =	sbr.rel .LBB1_5-.Ltmp4, $4  }
0x5e: {  	s21 =	sshrl.u32 s21, $0x3;
	[tilespmem:s20+$0x1450 ss:$0x41] =	vst.msk $0xffff, v61;
	s18 =	smul.u32 s18, s19;
	s19 =	sadd.s32 s3, s27  }
0x5f: {  	[tilespmem:s20+$0x1860 ss:$0x41] =	vst.msk $0xffff, v62;
	s21 =	sand.u32 $0x3F0, s21;
	s30 =	sshll.u32 s29, $0x12;
	s19 =	sadd.s32 s22, s19  }
0x60: {  	[tilespmem:s20+$0x0 ss:$0x41] =	vst.msk $0xffff, v63;
	s31 =	sor.u32 $0x40, s30;
	s18 =	sand.u32 $0x3FFFFFFF, s18;
	s19 =	sadd.s32 s21, s19  }
0x61: {  	[hbm4b:s19+s31] =	stream.strided.scatter [tilespmem:s17], [sflag:$0x2], s18, s6, s31, $0x18;
	[tilespmem:$0x8100] =	vst v63  }
.LBB1_6:
0x62: {  	_ =	sfence.sel $0x180000  }
0x63: {  	s2 =	simm.s32 $0x1;
	[bflag:$0x0] =	sbarrier.arrive $0xFFFF  }
0x64: {  	s31 =	simm.s32 $0x2;
	[sflag:s2] =	ssyncpa.u1 $0x1  }
0x65: {  	[sflag:s31] =	ssyncpa.u1 $0x1  }
0x66: {  	p0 =	sne.s32 s1, $0x0;
	_ =	strace $0x90000047  }
0x67: {  	s0 =	sadd.s32 @!p0 $0x100000, s0;
	[bflag:$0x2] =	sbarrier.arrive $0xFFFF  }
0x68: {  	[sflag:s0] =	ssyncadd.tile.s32 @!p0 $0x1;
	_ =	shalt  }
.Lfunc_end1:
_tile_overlayer_lowered:
.L_overlay_start_2:
0x69: {  	(tag) =	ssettag $0x2  }
0x6a: {  	s0 =	rddreg [dreg:$0x0];
	s2 =	stileid.u32  }
0x6b: {  	s1 =	rddreg [dreg:$0x1];
	p0 =	sne.s32 s2, $0x0  }
0x6c: {  	s3 =	rddreg [dreg:$0x2];
	[bflag:$0x3] =	sbarrier.arrive $0xFFFF;
	s2 =	simm.s32 @!p0 $0x1C01  }
0x6d: {  	[timem:s3], [sflag:s2] =	dma.local @!p0 [hbm:s0], s1  }
0x6e: {  	s0 =	simm.s32 @!p0 $0x1  }
0x6f: {  	_ =	swait.ge @!p0 [sflag:s0], s1  }
0x70: {  	s1 =	ssub.s32 @!p0 $0x0, s1;
	[sflag:s0] =	ssyncset.done @!p0 $0x0  }
0x71: {  	[sflag:s0] =	ssyncadd.s32 @!p0 s1  }
0x72: {  	[bflag:$0x3] =	sbarrier.arrive $0xFFFF  }
0x73: {  	_ =	shalt  }

</sc_bundles>
